<compile_context>
chip_gen: v7x
topology: tpu7x:2x2x1
jax: 0.10.2.dev20260603
libtpu: 0.0.44.dev20260713+nightly
codegen_flags: <defaults>
</compile_context>

<pallas_src>
import functools

import jax
import jax.numpy as jnp
from jax import lax
from jax.experimental import pallas as pl
from jax.experimental.pallas import tpu as pltpu
from jax.experimental.pallas import tpu_sc as plsc

_N_BINS = 25


_RING = 8
_MBN = 512


def _rowstats_body(hbm_ref, m_ref, conf_ref, buf, sems, *, num_blocks):
    def start(s):
        pltpu.make_async_copy(
            hbm_ref.at[pl.ds(s * _MBN, _MBN), :],
            buf.at[pl.ds((s % _RING) * _MBN, _MBN), :],
            sems.at[s % _RING],
        ).start()

    def wait(s):
        pltpu.make_async_copy(
            hbm_ref.at[pl.ds(s * _MBN, _MBN), :],
            buf.at[pl.ds((s % _RING) * _MBN, _MBN), :],
            sems.at[s % _RING],
        ).wait()

    for s in range(_RING):
        start(s)

    def step(s, carry):
        wait(s)
        x = buf[pl.ds((s % _RING) * _MBN, _MBN), :]
        m = jnp.max(x, axis=1, keepdims=True)
        t = jnp.sum(x, axis=1, keepdims=True)
        rows = _MBN // 128
        m_ref[pl.ds(s * rows, rows), :] = m.reshape(rows, 128)
        conf_ref[pl.ds(s * rows, rows), :] = (jnp.exp(m) / t).reshape(rows, 128)

        @pl.when(s + _RING < num_blocks)
        def _():
            start(s + _RING)

        return carry

    lax.fori_loop(0, num_blocks, step, 0)


def _tc_rowstats(logits):
    n, c = logits.shape
    num_blocks = n // _MBN
    return pl.pallas_call(
        functools.partial(_rowstats_body, num_blocks=num_blocks),
        in_specs=[pl.BlockSpec(memory_space=pl.ANY)],
        out_specs=[
            pl.BlockSpec(memory_space=pltpu.MemorySpace.VMEM),
            pl.BlockSpec(memory_space=pltpu.MemorySpace.VMEM),
        ],
        out_shape=[
            jax.ShapeDtypeStruct((n // 128, 128), jnp.float32),
            jax.ShapeDtypeStruct((n // 128, 128), jnp.float32),
        ],
        scratch_shapes=[
            pltpu.VMEM((_RING * _MBN, 1000), jnp.float32),
            pltpu.SemaphoreType.DMA((_RING,)),
        ],
    )(logits)


def _sc_tile_hists(logits_flat, labels, rowmax, conf, *, n_rows, n_cols):
    info = plsc.get_sparse_core_info()
    nc, ns = info.num_cores, info.num_subcores
    nw = nc * ns
    rows_per_tile = n_rows // nw
    n_gather = rows_per_tile // 128
    n_chunks = rows_per_tile // 16
    mesh = plsc.VectorSubcoreMesh(core_axis_name="c", subcore_axis_name="s")

    @functools.partial(
        pl.kernel,
        mesh=mesh,
        compiler_params=pltpu.CompilerParams(needs_layout_passes=False),
        out_type=jax.ShapeDtypeStruct((nw, 96), jnp.float32),
        scratch_types=[
            pltpu.VMEM((rows_per_tile,), jnp.int32),
            pltpu.VMEM((n_gather, 128), jnp.int32),
            pltpu.VMEM((n_gather, 128), jnp.float32),
            pltpu.VMEM((rows_per_tile,), jnp.float32),
            pltpu.VMEM((rows_per_tile,), jnp.float32),
            pltpu.VMEM((96,), jnp.float32),
            pltpu.SemaphoreType.DMA,
        ],
    )
    def k(logits_hbm, labels_hbm, rowmax_hbm, conf_hbm, out_hbm,
          lab_v, idx_v, gath_v, m_v, c_v, hist_v, sem):
        cid = lax.axis_index("c")
        sid = lax.axis_index("s")
        wid = sid * nc + cid
        base = wid * rows_per_tile

        pltpu.sync_copy(labels_hbm.at[pl.ds(base, rows_per_tile)], lab_v)
        pltpu.sync_copy(rowmax_hbm.at[pl.ds(base, rows_per_tile)], m_v)
        pltpu.sync_copy(conf_hbm.at[pl.ds(base, rows_per_tile)], c_v)

        def idx_body(t, carry):
            row0 = base + t * 16
            lab = lab_v[pl.ds(t * 16, 16)]
            rows = row0 + lax.iota(jnp.int32, 16)
            g = t // 8
            o = (t % 8) * 16
            idx_v[g, pl.ds(o, 16)] = rows * n_cols + lab
            return carry

        lax.fori_loop(0, n_chunks, idx_body, 0)

        copies = [
            pltpu.make_async_copy(logits_hbm.at[idx_v.at[g]], gath_v.at[g], sem)
            for g in range(n_gather)
        ]
        for cp in copies:
            cp.start()
        for cp in copies:
            cp.wait()

        for i in range(6):
            hist_v[pl.ds(i * 16, 16)] = jnp.zeros((16,), jnp.float32)

        ones = jnp.zeros((16,), jnp.float32) + 1.0

        def bin_body(t, carry):
            g = t // 8
            o = (t % 8) * 16
            gathered = gath_v[g, pl.ds(o, 16)]
            m = m_v[pl.ds(t * 16, 16)]
            cf = c_v[pl.ds(t * 16, 16)]
            acc = jnp.where(gathered == m, 1.0, 0.0)
            tt = cf * jnp.float32(_N_BINS)
            ti = tt.astype(jnp.int32)
            on_edge = jnp.where(ti.astype(jnp.float32) == tt, 1, 0)
            bi = jnp.minimum(jnp.maximum(ti - on_edge, 0), 31)
            plsc.addupdate_scatter(hist_v, [bi], ones)
            plsc.addupdate_scatter(hist_v, [bi + 32], cf)
            plsc.addupdate_scatter(hist_v, [bi + 64], acc)
            return carry

        lax.fori_loop(0, n_chunks, bin_body, 0)
        pltpu.sync_copy(hist_v, out_hbm.at[wid])

    return k(logits_flat, labels, rowmax, conf)


def _combine_body(hists_ref, out_ref, *, n_total):
    h = jnp.sum(hists_ref[...], axis=0, keepdims=True)
    count = h[0:1, 0:32]
    csum = h[0:1, 32:64]
    asum = h[0:1, 64:96]
    safe = jnp.maximum(count, 1.0)
    gaps = jnp.where(
        count > 0.0,
        jnp.abs(csum / safe - asum / safe) * (count / n_total),
        0.0,
    )
    out_ref[...] = jnp.sum(gaps, axis=1, keepdims=True)


def _tc_combine(hists, n_total):
    nw = hists.shape[0]
    return pl.pallas_call(
        functools.partial(_combine_body, n_total=float(n_total)),
        in_specs=[pl.BlockSpec((nw, 96), lambda: (0, 0))],
        out_specs=pl.BlockSpec((1, 1), lambda: (0, 0)),
        out_shape=jax.ShapeDtypeStruct((1, 1), jnp.float32),
    )(hists)


def kernel(logits, labels):
    n, c = logits.shape
    rowmax, conf = _tc_rowstats(logits)
    zz = labels.astype(jnp.float32)
    hists_i = _sc_tile_hists(logits.reshape(-1), labels, zz, zz, n_rows=n, n_cols=c)
    return (jnp.sum(rowmax) + jnp.sum(conf) + jnp.sum(hists_i)).reshape(1)
    hists = _sc_tile_hists(
        logits.reshape(-1),
        labels,
        rowmax.reshape(-1),
        conf.reshape(-1),
        n_rows=n,
        n_cols=c,
    )
    return _tc_combine(hists, n).reshape(1)

# --- scband reference (transcript-rebuilt; emitter-appended) ---
"""Pipeline reference for scband-eceloss-87780541595820 (READ-ONLY COPY).

The authoritative reference and input builder live on the scoring server;
editing this copy changes nothing except your own understanding.
"""

import jax, jax.numpy as jnp
import numpy as np

N_BINS = 25


def setup_inputs(seed: int = 0) -> dict:
    key = jax.random.key(seed)
    k1, k2 = jax.random.split(key)
    N, C = 65536, 1000
    logits = jax.random.normal(k1, (N, C), dtype=jnp.float32)
    labels = jax.random.randint(k2, (N,), 0, C, dtype=jnp.int32)
    return {"logits": logits, "labels": labels}


def reference(logits, labels):
    # softmax over classes
    softmaxes = jax.nn.softmax(logits, axis=1)
    confidences = jnp.max(softmaxes, axis=1)
    predictions = jnp.argmax(softmaxes, axis=1)
    accuracies = (predictions == labels.astype(predictions.dtype)).astype(jnp.float32)

    bin_boundaries = jnp.linspace(0.0, 1.0, N_BINS + 1)
    bin_lowers = bin_boundaries[:-1]
    bin_uppers = bin_boundaries[1:]

    # in_bin: [n_bins, N] boolean mask, matching torch's (conf > lower) & (conf <= upper)
    in_bin = (confidences[None, :] > bin_lowers[:, None]) & (confidences[None, :] <= bin_uppers[:, None])
    in_bin_f = in_bin.astype(jnp.float32)

    n = jnp.float32(confidences.shape[0])
    count = in_bin_f.sum(axis=1)                      # [n_bins]
    prop_in_bin = count / n                           # [n_bins]
    safe_count = jnp.maximum(count, 1.0)
    accuracy_in_bin = (accuracies[None, :] * in_bin_f).sum(axis=1) / safe_count
    avg_confidence_in_bin = (confidences[None, :] * in_bin_f).sum(axis=1) / safe_count

    # bins with zero samples contribute 0 (torch skips them via the if-branch)
    gaps = jnp.where(count > 0, jnp.abs(avg_confidence_in_bin - accuracy_in_bin) * prop_in_bin, 0.0)
    ece = jnp.sum(gaps).reshape(1)
    return ece

if __name__ == "__main__":
    import jax
    _d = setup_inputs()
    print(jax.jit(kernel)(*tuple(_d.values())))

</pallas_src>

<mosaic_0001>
#map = affine_map<(d0, d1) -> (0)>
#map1 = affine_map<(d0, d1) -> (0, 0)>
module attributes {stable_mosaic.version = 14 : i64} {
  func.func @k(%arg0: i32, %arg1: i32, %arg2: memref<65536000xf32, #tpu.memory_space<hbm>>, %arg3: memref<65536xi32, #tpu.memory_space<hbm>>, %arg4: memref<65536xf32, #tpu.memory_space<hbm>>, %arg5: memref<65536xf32, #tpu.memory_space<hbm>>, %arg6: memref<32x96xf32, #tpu.memory_space<hbm>>, %arg7: memref<2048xi32, #tpu.memory_space<vmem>>, %arg8: memref<16x128xi32, #tpu.memory_space<vmem>>, %arg9: memref<16x128xf32, #tpu.memory_space<vmem>>, %arg10: memref<2048xf32, #tpu.memory_space<vmem>>, %arg11: memref<2048xf32, #tpu.memory_space<vmem>>, %arg12: memref<96xf32, #tpu.memory_space<vmem>>, %arg13: memref<!tpu.dma_semaphore, #tpu.memory_space<semaphore_mem>>) attributes {dimension_semantics = [#tpu.dimension_semantics<core_parallel>, #tpu.dimension_semantics<subcore_parallel>], iteration_bounds = array<i64: 2, 16>, scalar_prefetch = 0 : i64, scratch_operands = 7 : i64, tpu.core_type = #tpu.core_type<sc_vector_subcore>, window_params = [{transform_indices = #map}, {transform_indices = #map}, {transform_indices = #map}, {transform_indices = #map}, {transform_indices = #map1}]} {
    %mul3A = arith.constant 2 : i32
    %mul3A_0 = arith.muli %arg1, %mul3A : i32
    %add3A = arith.addi %mul3A_0, %arg0 : i32
    %mul3A_1 = arith.constant 2048 : i32
    %mul3A_2 = arith.muli %add3A, %mul3A_1 : i32
    "tpu.region"() ({
      %run_scoped3A = tpu.sem_alloc : memref<!tpu.dma_semaphore, #tpu.memory_space<semaphore_mem>>
      %dma_start3A_359 = tpu.memref_slice %arg3[%mul3A_2] : memref<65536xi32, #tpu.memory_space<hbm>> -> memref<2048xi32, #tpu.memory_space<hbm>>
      %dma_start3A_360 = tpu.memref_slice %arg3[%mul3A_2] : memref<65536xi32, #tpu.memory_space<hbm>> -> memref<2048xi32, #tpu.memory_space<hbm>>
      tpu.enqueue_dma source(%dma_start3A_360 : memref<2048xi32, #tpu.memory_space<hbm>>) target(%arg7 : memref<2048xi32, #tpu.memory_space<vmem>>) target_semaphore(%run_scoped3A : memref<!tpu.dma_semaphore, #tpu.memory_space<semaphore_mem>>)
      %dma_wait3A_361 = tpu.memref_slice %arg3[%mul3A_2] : memref<65536xi32, #tpu.memory_space<hbm>> -> memref<2048xi32, #tpu.memory_space<hbm>>
      %dma_wait3A_362 = tpu.memref_slice %arg3[%mul3A_2] : memref<65536xi32, #tpu.memory_space<hbm>> -> memref<2048xi32, #tpu.memory_space<hbm>>
      tpu.wait_dma2 semaphore(%run_scoped3A : memref<!tpu.dma_semaphore, #tpu.memory_space<semaphore_mem>>) src(%dma_wait3A_362 : memref<2048xi32, #tpu.memory_space<hbm>>) dst(%arg7 : memref<2048xi32, #tpu.memory_space<vmem>>)
      tpu.yield
    }) : () -> ()
    "tpu.region"() ({
      %run_scoped3A = tpu.sem_alloc : memref<!tpu.dma_semaphore, #tpu.memory_space<semaphore_mem>>
      %dma_start3A_359 = tpu.memref_slice %arg4[%mul3A_2] : memref<65536xf32, #tpu.memory_space<hbm>> -> memref<2048xf32, #tpu.memory_space<hbm>>
      %dma_start3A_360 = tpu.memref_slice %arg4[%mul3A_2] : memref<65536xf32, #tpu.memory_space<hbm>> -> memref<2048xf32, #tpu.memory_space<hbm>>
      tpu.enqueue_dma source(%dma_start3A_360 : memref<2048xf32, #tpu.memory_space<hbm>>) target(%arg10 : memref<2048xf32, #tpu.memory_space<vmem>>) target_semaphore(%run_scoped3A : memref<!tpu.dma_semaphore, #tpu.memory_space<semaphore_mem>>)
      %dma_wait3A_361 = tpu.memref_slice %arg4[%mul3A_2] : memref<65536xf32, #tpu.memory_space<hbm>> -> memref<2048xf32, #tpu.memory_space<hbm>>
      %dma_wait3A_362 = tpu.memref_slice %arg4[%mul3A_2] : memref<65536xf32, #tpu.memory_space<hbm>> -> memref<2048xf32, #tpu.memory_space<hbm>>
      tpu.wait_dma2 semaphore(%run_scoped3A : memref<!tpu.dma_semaphore, #tpu.memory_space<semaphore_mem>>) src(%dma_wait3A_362 : memref<2048xf32, #tpu.memory_space<hbm>>) dst(%arg10 : memref<2048xf32, #tpu.memory_space<vmem>>)
      tpu.yield
    }) : () -> ()
    "tpu.region"() ({
      %run_scoped3A = tpu.sem_alloc : memref<!tpu.dma_semaphore, #tpu.memory_space<semaphore_mem>>
      %dma_start3A_359 = tpu.memref_slice %arg5[%mul3A_2] : memref<65536xf32, #tpu.memory_space<hbm>> -> memref<2048xf32, #tpu.memory_space<hbm>>
      %dma_start3A_360 = tpu.memref_slice %arg5[%mul3A_2] : memref<65536xf32, #tpu.memory_space<hbm>> -> memref<2048xf32, #tpu.memory_space<hbm>>
      tpu.enqueue_dma source(%dma_start3A_360 : memref<2048xf32, #tpu.memory_space<hbm>>) target(%arg11 : memref<2048xf32, #tpu.memory_space<vmem>>) target_semaphore(%run_scoped3A : memref<!tpu.dma_semaphore, #tpu.memory_space<semaphore_mem>>)
      %dma_wait3A_361 = tpu.memref_slice %arg5[%mul3A_2] : memref<65536xf32, #tpu.memory_space<hbm>> -> memref<2048xf32, #tpu.memory_space<hbm>>
      %dma_wait3A_362 = tpu.memref_slice %arg5[%mul3A_2] : memref<65536xf32, #tpu.memory_space<hbm>> -> memref<2048xf32, #tpu.memory_space<hbm>>
      tpu.wait_dma2 semaphore(%run_scoped3A : memref<!tpu.dma_semaphore, #tpu.memory_space<semaphore_mem>>) src(%dma_wait3A_362 : memref<2048xf32, #tpu.memory_space<hbm>>) dst(%arg11 : memref<2048xf32, #tpu.memory_space<vmem>>)
      tpu.yield
    }) : () -> ()
    %scan3A = arith.constant 0 : i32
    %scan3A_3 = arith.constant 0 : i32
    %scan3A_4 = arith.constant 128 : i32
    %scan3A_5 = arith.addi %scan3A_3, %scan3A_4 : i32
    %scan3A_6 = arith.constant 1 : i32
    scf.for %scan3A_359 = %scan3A_3 to %scan3A_5 step %scan3A_6  : i32 {
      %mul3A_360 = arith.constant 16 : i32
      %mul3A_361 = arith.muli %scan3A_359, %mul3A_360 : i32
      %add3A_362 = arith.addi %mul3A_2, %mul3A_361 : i32
      %mul3A_363 = arith.constant 16 : i32
      %mul3A_364 = arith.muli %scan3A_359, %mul3A_363 : i32
      %get3A = arith.index_cast %mul3A_364 : i32 to index
      %get3A_365 = tpu.vector_load %arg7[%get3A] {strides = array<i32>} : memref<2048xi32, #tpu.memory_space<vmem>>, vector<16xi32>,
      %iota3A = tpu.iota {dimensions = array<i32: 0>} : vector<16xi32>
      %add3A_366 = vector.broadcast %add3A_362 : i32 to vector<16xi32>
      %add3A_367 = arith.addi %add3A_366, %iota3A : vector<16xi32>
      %jit3A = arith.constant 8 : i32
      %div3A = arith.divsi %scan3A_359, %jit3A : i32
      %sign3A = arith.constant 0 : i32
      %sign3A_368 = arith.cmpi sgt, %scan3A_359, %sign3A : i32
      %sign3A_369 = arith.extui %sign3A_368 : i1 to i32
      %sign3A_370 = arith.constant 0 : i32
      %sign3A_371 = arith.cmpi slt, %scan3A_359, %sign3A_370 : i32
      %sign3A_372 = arith.extui %sign3A_371 : i1 to i32
      %sign3A_373 = arith.subi %sign3A_369, %sign3A_372 : i32
      %sign3A_374 = arith.constant 0 : i32
      %sign3A_375 = arith.cmpi sgt, %jit3A, %sign3A_374 : i32
      %sign3A_376 = arith.extui %sign3A_375 : i1 to i32
      %sign3A_377 = arith.constant 0 : i32
      %sign3A_378 = arith.cmpi slt, %jit3A, %sign3A_377 : i32
      %sign3A_379 = arith.extui %sign3A_378 : i1 to i32
      %sign3A_380 = arith.subi %sign3A_376, %sign3A_379 : i32
      %ne3A = arith.cmpi ne, %sign3A_373, %sign3A_380 : i32
      %rem3A = arith.remsi %scan3A_359, %jit3A : i32
      %ne3A_381 = arith.constant 0 : i32
      %ne3A_382 = arith.cmpi ne, %rem3A, %ne3A_381 : i32
      %and3A = arith.andi %ne3A, %ne3A_382 : i1
      %sub3A = arith.constant 1 : i32
      %sub3A_383 = arith.subi %div3A, %sub3A : i32
      %select_n3A = arith.select %and3A, %sub3A_383, %div3A : i32
      %jit3A_384 = arith.constant 8 : i32
      %eq3A = arith.constant 0 : i32
      %eq3A_385 = arith.cmpi eq, %jit3A_384, %eq3A : i32
      %jit3A_386 = arith.constant 1 : i32
      %select_n3A_387 = arith.select %eq3A_385, %jit3A_386, %jit3A_384 : i32
      %rem3A_388 = arith.remsi %scan3A_359, %select_n3A_387 : i32
      %ne3A_389 = arith.constant 0 : i32
      %ne3A_390 = arith.cmpi ne, %rem3A_388, %ne3A_389 : i32
      %lt3A = arith.constant 0 : i32
      %lt3A_391 = arith.cmpi slt, %rem3A_388, %lt3A : i32
      %lt3A_392 = arith.constant 0 : i32
      %lt3A_393 = arith.cmpi slt, %select_n3A_387, %lt3A_392 : i32
      %ne3A_394 = arith.xori %lt3A_391, %lt3A_393 : i1
      %and3A_395 = arith.andi %ne3A_394, %ne3A_390 : i1
      %add3A_396 = arith.addi %rem3A_388, %select_n3A_387 : i32
      %select_n3A_397 = arith.select %and3A_395, %add3A_396, %rem3A_388 : i32
      %mul3A_398 = arith.constant 16 : i32
      %mul3A_399 = arith.muli %select_n3A_397, %mul3A_398 : i32
      %mul3A_400 = arith.constant 1000 : i32
      %mul3A_401 = vector.broadcast %mul3A_400 : i32 to vector<16xi32>
      %mul3A_402 = arith.muli %add3A_367, %mul3A_401 : vector<16xi32>
      %add3A_403 = arith.addi %mul3A_402, %get3A_365 : vector<16xi32>
      %swap3A_404 = arith.index_cast %select_n3A : i32 to index
      %swap3A_405 = arith.index_cast %mul3A_399 : i32 to index
      %swap3A_406 = tpu.vector_load %arg8[%swap3A_404, %swap3A_405] {strides = array<i32>} : memref<16x128xi32, #tpu.memory_space<vmem>>, vector<16xi32>,
      tpu.vector_store %arg8[%swap3A_404, %swap3A_405], %add3A_403 {strides = array<i32>} : memref<16x128xi32, #tpu.memory_space<vmem>>, vector<16xi32>,
    }
    %scan3A_7 = arith.constant 128 : i32
    %dma_start3A = arith.constant 0 : i32
    %dma_start3A_8 = arith.constant 0 : i32
    %dma_start3A_9 = arith.constant 0 : i32
    %dma_start3A_10 = tpu.memref_slice %arg9[%dma_start3A_8, %dma_start3A_9] : memref<16x128xf32, #tpu.memory_space<vmem>> -> memref<1x128xf32, #tpu.memory_space<vmem>>
    %dma_start3A_11 = tpu.memref_squeeze %dma_start3A_10 : memref<1x128xf32, #tpu.memory_space<vmem>> -> memref<128xf32, #tpu.memory_space<vmem>>
    %dma_start3A_12 = arith.constant 0 : i32
    %dma_start3A_13 = tpu.memref_slice %arg8[%dma_start3A, %dma_start3A_12] : memref<16x128xi32, #tpu.memory_space<vmem>> -> memref<1x128xi32, #tpu.memory_space<vmem>>
    %dma_start3A_14 = tpu.memref_squeeze %dma_start3A_13 : memref<1x128xi32, #tpu.memory_space<vmem>> -> memref<128xi32, #tpu.memory_space<vmem>>
    %dma_start3A_15 = arith.constant 0 : i32
    %dma_start3A_16 = tpu.memref_slice %arg2[%dma_start3A_15] : memref<65536000xf32, #tpu.memory_space<hbm>> -> memref<65536000xf32, #tpu.memory_space<hbm>>
    tpu.enqueue_indirect_dma source(%dma_start3A_16 : memref<65536000xf32, #tpu.memory_space<hbm>>) target(%dma_start3A_11 : memref<128xf32, #tpu.memory_space<vmem>>) offsets(%dma_start3A_14 : memref<128xi32, #tpu.memory_space<vmem>>) semaphore(%arg13 : memref<!tpu.dma_semaphore, #tpu.memory_space<semaphore_mem>>)
    %dma_start3A_17 = arith.constant 1 : i32
    %dma_start3A_18 = arith.constant 1 : i32
    %dma_start3A_19 = arith.constant 0 : i32
    %dma_start3A_20 = tpu.memref_slice %arg9[%dma_start3A_18, %dma_start3A_19] : memref<16x128xf32, #tpu.memory_space<vmem>> -> memref<1x128xf32, #tpu.memory_space<vmem>>
    %dma_start3A_21 = tpu.memref_squeeze %dma_start3A_20 : memref<1x128xf32, #tpu.memory_space<vmem>> -> memref<128xf32, #tpu.memory_space<vmem>>
    %dma_start3A_22 = arith.constant 0 : i32
    %dma_start3A_23 = tpu.memref_slice %arg8[%dma_start3A_17, %dma_start3A_22] : memref<16x128xi32, #tpu.memory_space<vmem>> -> memref<1x128xi32, #tpu.memory_space<vmem>>
    %dma_start3A_24 = tpu.memref_squeeze %dma_start3A_23 : memref<1x128xi32, #tpu.memory_space<vmem>> -> memref<128xi32, #tpu.memory_space<vmem>>
    %dma_start3A_25 = arith.constant 0 : i32
    %dma_start3A_26 = tpu.memref_slice %arg2[%dma_start3A_25] : memref<65536000xf32, #tpu.memory_space<hbm>> -> memref<65536000xf32, #tpu.memory_space<hbm>>
    tpu.enqueue_indirect_dma source(%dma_start3A_26 : memref<65536000xf32, #tpu.memory_space<hbm>>) target(%dma_start3A_21 : memref<128xf32, #tpu.memory_space<vmem>>) offsets(%dma_start3A_24 : memref<128xi32, #tpu.memory_space<vmem>>) semaphore(%arg13 : memref<!tpu.dma_semaphore, #tpu.memory_space<semaphore_mem>>)
    %dma_start3A_27 = arith.constant 2 : i32
    %dma_start3A_28 = arith.constant 2 : i32
    %dma_start3A_29 = arith.constant 0 : i32
    %dma_start3A_30 = tpu.memref_slice %arg9[%dma_start3A_28, %dma_start3A_29] : memref<16x128xf32, #tpu.memory_space<vmem>> -> memref<1x128xf32, #tpu.memory_space<vmem>>
    %dma_start3A_31 = tpu.memref_squeeze %dma_start3A_30 : memref<1x128xf32, #tpu.memory_space<vmem>> -> memref<128xf32, #tpu.memory_space<vmem>>
    %dma_start3A_32 = arith.constant 0 : i32
    %dma_start3A_33 = tpu.memref_slice %arg8[%dma_start3A_27, %dma_start3A_32] : memref<16x128xi32, #tpu.memory_space<vmem>> -> memref<1x128xi32, #tpu.memory_space<vmem>>
    %dma_start3A_34 = tpu.memref_squeeze %dma_start3A_33 : memref<1x128xi32, #tpu.memory_space<vmem>> -> memref<128xi32, #tpu.memory_space<vmem>>
    %dma_start3A_35 = arith.constant 0 : i32
    %dma_start3A_36 = tpu.memref_slice %arg2[%dma_start3A_35] : memref<65536000xf32, #tpu.memory_space<hbm>> -> memref<65536000xf32, #tpu.memory_space<hbm>>
    tpu.enqueue_indirect_dma source(%dma_start3A_36 : memref<65536000xf32, #tpu.memory_space<hbm>>) target(%dma_start3A_31 : memref<128xf32, #tpu.memory_space<vmem>>) offsets(%dma_start3A_34 : memref<128xi32, #tpu.memory_space<vmem>>) semaphore(%arg13 : memref<!tpu.dma_semaphore, #tpu.memory_space<semaphore_mem>>)
    %dma_start3A_37 = arith.constant 3 : i32
    %dma_start3A_38 = arith.constant 3 : i32
    %dma_start3A_39 = arith.constant 0 : i32
    %dma_start3A_40 = tpu.memref_slice %arg9[%dma_start3A_38, %dma_start3A_39] : memref<16x128xf32, #tpu.memory_space<vmem>> -> memref<1x128xf32, #tpu.memory_space<vmem>>
    %dma_start3A_41 = tpu.memref_squeeze %dma_start3A_40 : memref<1x128xf32, #tpu.memory_space<vmem>> -> memref<128xf32, #tpu.memory_space<vmem>>
    %dma_start3A_42 = arith.constant 0 : i32
    %dma_start3A_43 = tpu.memref_slice %arg8[%dma_start3A_37, %dma_start3A_42] : memref<16x128xi32, #tpu.memory_space<vmem>> -> memref<1x128xi32, #tpu.memory_space<vmem>>
    %dma_start3A_44 = tpu.memref_squeeze %dma_start3A_43 : memref<1x128xi32, #tpu.memory_space<vmem>> -> memref<128xi32, #tpu.memory_space<vmem>>
    %dma_start3A_45 = arith.constant 0 : i32
    %dma_start3A_46 = tpu.memref_slice %arg2[%dma_start3A_45] : memref<65536000xf32, #tpu.memory_space<hbm>> -> memref<65536000xf32, #tpu.memory_space<hbm>>
    tpu.enqueue_indirect_dma source(%dma_start3A_46 : memref<65536000xf32, #tpu.memory_space<hbm>>) target(%dma_start3A_41 : memref<128xf32, #tpu.memory_space<vmem>>) offsets(%dma_start3A_44 : memref<128xi32, #tpu.memory_space<vmem>>) semaphore(%arg13 : memref<!tpu.dma_semaphore, #tpu.memory_space<semaphore_mem>>)
    %dma_start3A_47 = arith.constant 4 : i32
    %dma_start3A_48 = arith.constant 4 : i32
    %dma_start3A_49 = arith.constant 0 : i32
    %dma_start3A_50 = tpu.memref_slice %arg9[%dma_start3A_48, %dma_start3A_49] : memref<16x128xf32, #tpu.memory_space<vmem>> -> memref<1x128xf32, #tpu.memory_space<vmem>>
    %dma_start3A_51 = tpu.memref_squeeze %dma_start3A_50 : memref<1x128xf32, #tpu.memory_space<vmem>> -> memref<128xf32, #tpu.memory_space<vmem>>
    %dma_start3A_52 = arith.constant 0 : i32
    %dma_start3A_53 = tpu.memref_slice %arg8[%dma_start3A_47, %dma_start3A_52] : memref<16x128xi32, #tpu.memory_space<vmem>> -> memref<1x128xi32, #tpu.memory_space<vmem>>
    %dma_start3A_54 = tpu.memref_squeeze %dma_start3A_53 : memref<1x128xi32, #tpu.memory_space<vmem>> -> memref<128xi32, #tpu.memory_space<vmem>>
    %dma_start3A_55 = arith.constant 0 : i32
    %dma_start3A_56 = tpu.memref_slice %arg2[%dma_start3A_55] : memref<65536000xf32, #tpu.memory_space<hbm>> -> memref<65536000xf32, #tpu.memory_space<hbm>>
    tpu.enqueue_indirect_dma source(%dma_start3A_56 : memref<65536000xf32, #tpu.memory_space<hbm>>) target(%dma_start3A_51 : memref<128xf32, #tpu.memory_space<vmem>>) offsets(%dma_start3A_54 : memref<128xi32, #tpu.memory_space<vmem>>) semaphore(%arg13 : memref<!tpu.dma_semaphore, #tpu.memory_space<semaphore_mem>>)
    %dma_start3A_57 = arith.constant 5 : i32
    %dma_start3A_58 = arith.constant 5 : i32
    %dma_start3A_59 = arith.constant 0 : i32
    %dma_start3A_60 = tpu.memref_slice %arg9[%dma_start3A_58, %dma_start3A_59] : memref<16x128xf32, #tpu.memory_space<vmem>> -> memref<1x128xf32, #tpu.memory_space<vmem>>
    %dma_start3A_61 = tpu.memref_squeeze %dma_start3A_60 : memref<1x128xf32, #tpu.memory_space<vmem>> -> memref<128xf32, #tpu.memory_space<vmem>>
    %dma_start3A_62 = arith.constant 0 : i32
    %dma_start3A_63 = tpu.memref_slice %arg8[%dma_start3A_57, %dma_start3A_62] : memref<16x128xi32, #tpu.memory_space<vmem>> -> memref<1x128xi32, #tpu.memory_space<vmem>>
    %dma_start3A_64 = tpu.memref_squeeze %dma_start3A_63 : memref<1x128xi32, #tpu.memory_space<vmem>> -> memref<128xi32, #tpu.memory_space<vmem>>
    %dma_start3A_65 = arith.constant 0 : i32
    %dma_start3A_66 = tpu.memref_slice %arg2[%dma_start3A_65] : memref<65536000xf32, #tpu.memory_space<hbm>> -> memref<65536000xf32, #tpu.memory_space<hbm>>
    tpu.enqueue_indirect_dma source(%dma_start3A_66 : memref<65536000xf32, #tpu.memory_space<hbm>>) target(%dma_start3A_61 : memref<128xf32, #tpu.memory_space<vmem>>) offsets(%dma_start3A_64 : memref<128xi32, #tpu.memory_space<vmem>>) semaphore(%arg13 : memref<!tpu.dma_semaphore, #tpu.memory_space<semaphore_mem>>)
    %dma_start3A_67 = arith.constant 6 : i32
    %dma_start3A_68 = arith.constant 6 : i32
    %dma_start3A_69 = arith.constant 0 : i32
    %dma_start3A_70 = tpu.memref_slice %arg9[%dma_start3A_68, %dma_start3A_69] : memref<16x128xf32, #tpu.memory_space<vmem>> -> memref<1x128xf32, #tpu.memory_space<vmem>>
    %dma_start3A_71 = tpu.memref_squeeze %dma_start3A_70 : memref<1x128xf32, #tpu.memory_space<vmem>> -> memref<128xf32, #tpu.memory_space<vmem>>
    %dma_start3A_72 = arith.constant 0 : i32
    %dma_start3A_73 = tpu.memref_slice %arg8[%dma_start3A_67, %dma_start3A_72] : memref<16x128xi32, #tpu.memory_space<vmem>> -> memref<1x128xi32, #tpu.memory_space<vmem>>
    %dma_start3A_74 = tpu.memref_squeeze %dma_start3A_73 : memref<1x128xi32, #tpu.memory_space<vmem>> -> memref<128xi32, #tpu.memory_space<vmem>>
    %dma_start3A_75 = arith.constant 0 : i32
    %dma_start3A_76 = tpu.memref_slice %arg2[%dma_start3A_75] : memref<65536000xf32, #tpu.memory_space<hbm>> -> memref<65536000xf32, #tpu.memory_space<hbm>>
    tpu.enqueue_indirect_dma source(%dma_start3A_76 : memref<65536000xf32, #tpu.memory_space<hbm>>) target(%dma_start3A_71 : memref<128xf32, #tpu.memory_space<vmem>>) offsets(%dma_start3A_74 : memref<128xi32, #tpu.memory_space<vmem>>) semaphore(%arg13 : memref<!tpu.dma_semaphore, #tpu.memory_space<semaphore_mem>>)
    %dma_start3A_77 = arith.constant 7 : i32
    %dma_start3A_78 = arith.constant 7 : i32
    %dma_start3A_79 = arith.constant 0 : i32
    %dma_start3A_80 = tpu.memref_slice %arg9[%dma_start3A_78, %dma_start3A_79] : memref<16x128xf32, #tpu.memory_space<vmem>> -> memref<1x128xf32, #tpu.memory_space<vmem>>
    %dma_start3A_81 = tpu.memref_squeeze %dma_start3A_80 : memref<1x128xf32, #tpu.memory_space<vmem>> -> memref<128xf32, #tpu.memory_space<vmem>>
    %dma_start3A_82 = arith.constant 0 : i32
    %dma_start3A_83 = tpu.memref_slice %arg8[%dma_start3A_77, %dma_start3A_82] : memref<16x128xi32, #tpu.memory_space<vmem>> -> memref<1x128xi32, #tpu.memory_space<vmem>>
    %dma_start3A_84 = tpu.memref_squeeze %dma_start3A_83 : memref<1x128xi32, #tpu.memory_space<vmem>> -> memref<128xi32, #tpu.memory_space<vmem>>
    %dma_start3A_85 = arith.constant 0 : i32
    %dma_start3A_86 = tpu.memref_slice %arg2[%dma_start3A_85] : memref<65536000xf32, #tpu.memory_space<hbm>> -> memref<65536000xf32, #tpu.memory_space<hbm>>
    tpu.enqueue_indirect_dma source(%dma_start3A_86 : memref<65536000xf32, #tpu.memory_space<hbm>>) target(%dma_start3A_81 : memref<128xf32, #tpu.memory_space<vmem>>) offsets(%dma_start3A_84 : memref<128xi32, #tpu.memory_space<vmem>>) semaphore(%arg13 : memref<!tpu.dma_semaphore, #tpu.memory_space<semaphore_mem>>)
    %dma_start3A_87 = arith.constant 8 : i32
    %dma_start3A_88 = arith.constant 8 : i32
    %dma_start3A_89 = arith.constant 0 : i32
    %dma_start3A_90 = tpu.memref_slice %arg9[%dma_start3A_88, %dma_start3A_89] : memref<16x128xf32, #tpu.memory_space<vmem>> -> memref<1x128xf32, #tpu.memory_space<vmem>>
    %dma_start3A_91 = tpu.memref_squeeze %dma_start3A_90 : memref<1x128xf32, #tpu.memory_space<vmem>> -> memref<128xf32, #tpu.memory_space<vmem>>
    %dma_start3A_92 = arith.constant 0 : i32
    %dma_start3A_93 = tpu.memref_slice %arg8[%dma_start3A_87, %dma_start3A_92] : memref<16x128xi32, #tpu.memory_space<vmem>> -> memref<1x128xi32, #tpu.memory_space<vmem>>
    %dma_start3A_94 = tpu.memref_squeeze %dma_start3A_93 : memref<1x128xi32, #tpu.memory_space<vmem>> -> memref<128xi32, #tpu.memory_space<vmem>>
    %dma_start3A_95 = arith.constant 0 : i32
    %dma_start3A_96 = tpu.memref_slice %arg2[%dma_start3A_95] : memref<65536000xf32, #tpu.memory_space<hbm>> -> memref<65536000xf32, #tpu.memory_space<hbm>>
    tpu.enqueue_indirect_dma source(%dma_start3A_96 : memref<65536000xf32, #tpu.memory_space<hbm>>) target(%dma_start3A_91 : memref<128xf32, #tpu.memory_space<vmem>>) offsets(%dma_start3A_94 : memref<128xi32, #tpu.memory_space<vmem>>) semaphore(%arg13 : memref<!tpu.dma_semaphore, #tpu.memory_space<semaphore_mem>>)
    %dma_start3A_97 = arith.constant 9 : i32
    %dma_start3A_98 = arith.constant 9 : i32
    %dma_start3A_99 = arith.constant 0 : i32
    %dma_start3A_100 = tpu.memref_slice %arg9[%dma_start3A_98, %dma_start3A_99] : memref<16x128xf32, #tpu.memory_space<vmem>> -> memref<1x128xf32, #tpu.memory_space<vmem>>
    %dma_start3A_101 = tpu.memref_squeeze %dma_start3A_100 : memref<1x128xf32, #tpu.memory_space<vmem>> -> memref<128xf32, #tpu.memory_space<vmem>>
    %dma_start3A_102 = arith.constant 0 : i32
    %dma_start3A_103 = tpu.memref_slice %arg8[%dma_start3A_97, %dma_start3A_102] : memref<16x128xi32, #tpu.memory_space<vmem>> -> memref<1x128xi32, #tpu.memory_space<vmem>>
    %dma_start3A_104 = tpu.memref_squeeze %dma_start3A_103 : memref<1x128xi32, #tpu.memory_space<vmem>> -> memref<128xi32, #tpu.memory_space<vmem>>
    %dma_start3A_105 = arith.constant 0 : i32
    %dma_start3A_106 = tpu.memref_slice %arg2[%dma_start3A_105] : memref<65536000xf32, #tpu.memory_space<hbm>> -> memref<65536000xf32, #tpu.memory_space<hbm>>
    tpu.enqueue_indirect_dma source(%dma_start3A_106 : memref<65536000xf32, #tpu.memory_space<hbm>>) target(%dma_start3A_101 : memref<128xf32, #tpu.memory_space<vmem>>) offsets(%dma_start3A_104 : memref<128xi32, #tpu.memory_space<vmem>>) semaphore(%arg13 : memref<!tpu.dma_semaphore, #tpu.memory_space<semaphore_mem>>)
    %dma_start3A_107 = arith.constant 10 : i32
    %dma_start3A_108 = arith.constant 10 : i32
    %dma_start3A_109 = arith.constant 0 : i32
    %dma_start3A_110 = tpu.memref_slice %arg9[%dma_start3A_108, %dma_start3A_109] : memref<16x128xf32, #tpu.memory_space<vmem>> -> memref<1x128xf32, #tpu.memory_space<vmem>>
    %dma_start3A_111 = tpu.memref_squeeze %dma_start3A_110 : memref<1x128xf32, #tpu.memory_space<vmem>> -> memref<128xf32, #tpu.memory_space<vmem>>
    %dma_start3A_112 = arith.constant 0 : i32
    %dma_start3A_113 = tpu.memref_slice %arg8[%dma_start3A_107, %dma_start3A_112] : memref<16x128xi32, #tpu.memory_space<vmem>> -> memref<1x128xi32, #tpu.memory_space<vmem>>
    %dma_start3A_114 = tpu.memref_squeeze %dma_start3A_113 : memref<1x128xi32, #tpu.memory_space<vmem>> -> memref<128xi32, #tpu.memory_space<vmem>>
    %dma_start3A_115 = arith.constant 0 : i32
    %dma_start3A_116 = tpu.memref_slice %arg2[%dma_start3A_115] : memref<65536000xf32, #tpu.memory_space<hbm>> -> memref<65536000xf32, #tpu.memory_space<hbm>>
    tpu.enqueue_indirect_dma source(%dma_start3A_116 : memref<65536000xf32, #tpu.memory_space<hbm>>) target(%dma_start3A_111 : memref<128xf32, #tpu.memory_space<vmem>>) offsets(%dma_start3A_114 : memref<128xi32, #tpu.memory_space<vmem>>) semaphore(%arg13 : memref<!tpu.dma_semaphore, #tpu.memory_space<semaphore_mem>>)
    %dma_start3A_117 = arith.constant 11 : i32
    %dma_start3A_118 = arith.constant 11 : i32
    %dma_start3A_119 = arith.constant 0 : i32
    %dma_start3A_120 = tpu.memref_slice %arg9[%dma_start3A_118, %dma_start3A_119] : memref<16x128xf32, #tpu.memory_space<vmem>> -> memref<1x128xf32, #tpu.memory_space<vmem>>
    %dma_start3A_121 = tpu.memref_squeeze %dma_start3A_120 : memref<1x128xf32, #tpu.memory_space<vmem>> -> memref<128xf32, #tpu.memory_space<vmem>>
    %dma_start3A_122 = arith.constant 0 : i32
    %dma_start3A_123 = tpu.memref_slice %arg8[%dma_start3A_117, %dma_start3A_122] : memref<16x128xi32, #tpu.memory_space<vmem>> -> memref<1x128xi32, #tpu.memory_space<vmem>>
    %dma_start3A_124 = tpu.memref_squeeze %dma_start3A_123 : memref<1x128xi32, #tpu.memory_space<vmem>> -> memref<128xi32, #tpu.memory_space<vmem>>
    %dma_start3A_125 = arith.constant 0 : i32
    %dma_start3A_126 = tpu.memref_slice %arg2[%dma_start3A_125] : memref<65536000xf32, #tpu.memory_space<hbm>> -> memref<65536000xf32, #tpu.memory_space<hbm>>
    tpu.enqueue_indirect_dma source(%dma_start3A_126 : memref<65536000xf32, #tpu.memory_space<hbm>>) target(%dma_start3A_121 : memref<128xf32, #tpu.memory_space<vmem>>) offsets(%dma_start3A_124 : memref<128xi32, #tpu.memory_space<vmem>>) semaphore(%arg13 : memref<!tpu.dma_semaphore, #tpu.memory_space<semaphore_mem>>)
    %dma_start3A_127 = arith.constant 12 : i32
    %dma_start3A_128 = arith.constant 12 : i32
    %dma_start3A_129 = arith.constant 0 : i32
    %dma_start3A_130 = tpu.memref_slice %arg9[%dma_start3A_128, %dma_start3A_129] : memref<16x128xf32, #tpu.memory_space<vmem>> -> memref<1x128xf32, #tpu.memory_space<vmem>>
    %dma_start3A_131 = tpu.memref_squeeze %dma_start3A_130 : memref<1x128xf32, #tpu.memory_space<vmem>> -> memref<128xf32, #tpu.memory_space<vmem>>
    %dma_start3A_132 = arith.constant 0 : i32
    %dma_start3A_133 = tpu.memref_slice %arg8[%dma_start3A_127, %dma_start3A_132] : memref<16x128xi32, #tpu.memory_space<vmem>> -> memref<1x128xi32, #tpu.memory_space<vmem>>
    %dma_start3A_134 = tpu.memref_squeeze %dma_start3A_133 : memref<1x128xi32, #tpu.memory_space<vmem>> -> memref<128xi32, #tpu.memory_space<vmem>>
    %dma_start3A_135 = arith.constant 0 : i32
    %dma_start3A_136 = tpu.memref_slice %arg2[%dma_start3A_135] : memref<65536000xf32, #tpu.memory_space<hbm>> -> memref<65536000xf32, #tpu.memory_space<hbm>>
    tpu.enqueue_indirect_dma source(%dma_start3A_136 : memref<65536000xf32, #tpu.memory_space<hbm>>) target(%dma_start3A_131 : memref<128xf32, #tpu.memory_space<vmem>>) offsets(%dma_start3A_134 : memref<128xi32, #tpu.memory_space<vmem>>) semaphore(%arg13 : memref<!tpu.dma_semaphore, #tpu.memory_space<semaphore_mem>>)
    %dma_start3A_137 = arith.constant 13 : i32
    %dma_start3A_138 = arith.constant 13 : i32
    %dma_start3A_139 = arith.constant 0 : i32
    %dma_start3A_140 = tpu.memref_slice %arg9[%dma_start3A_138, %dma_start3A_139] : memref<16x128xf32, #tpu.memory_space<vmem>> -> memref<1x128xf32, #tpu.memory_space<vmem>>
    %dma_start3A_141 = tpu.memref_squeeze %dma_start3A_140 : memref<1x128xf32, #tpu.memory_space<vmem>> -> memref<128xf32, #tpu.memory_space<vmem>>
    %dma_start3A_142 = arith.constant 0 : i32
    %dma_start3A_143 = tpu.memref_slice %arg8[%dma_start3A_137, %dma_start3A_142] : memref<16x128xi32, #tpu.memory_space<vmem>> -> memref<1x128xi32, #tpu.memory_space<vmem>>
    %dma_start3A_144 = tpu.memref_squeeze %dma_start3A_143 : memref<1x128xi32, #tpu.memory_space<vmem>> -> memref<128xi32, #tpu.memory_space<vmem>>
    %dma_start3A_145 = arith.constant 0 : i32
    %dma_start3A_146 = tpu.memref_slice %arg2[%dma_start3A_145] : memref<65536000xf32, #tpu.memory_space<hbm>> -> memref<65536000xf32, #tpu.memory_space<hbm>>
    tpu.enqueue_indirect_dma source(%dma_start3A_146 : memref<65536000xf32, #tpu.memory_space<hbm>>) target(%dma_start3A_141 : memref<128xf32, #tpu.memory_space<vmem>>) offsets(%dma_start3A_144 : memref<128xi32, #tpu.memory_space<vmem>>) semaphore(%arg13 : memref<!tpu.dma_semaphore, #tpu.memory_space<semaphore_mem>>)
    %dma_start3A_147 = arith.constant 14 : i32
    %dma_start3A_148 = arith.constant 14 : i32
    %dma_start3A_149 = arith.constant 0 : i32
    %dma_start3A_150 = tpu.memref_slice %arg9[%dma_start3A_148, %dma_start3A_149] : memref<16x128xf32, #tpu.memory_space<vmem>> -> memref<1x128xf32, #tpu.memory_space<vmem>>
    %dma_start3A_151 = tpu.memref_squeeze %dma_start3A_150 : memref<1x128xf32, #tpu.memory_space<vmem>> -> memref<128xf32, #tpu.memory_space<vmem>>
    %dma_start3A_152 = arith.constant 0 : i32
    %dma_start3A_153 = tpu.memref_slice %arg8[%dma_start3A_147, %dma_start3A_152] : memref<16x128xi32, #tpu.memory_space<vmem>> -> memref<1x128xi32, #tpu.memory_space<vmem>>
    %dma_start3A_154 = tpu.memref_squeeze %dma_start3A_153 : memref<1x128xi32, #tpu.memory_space<vmem>> -> memref<128xi32, #tpu.memory_space<vmem>>
    %dma_start3A_155 = arith.constant 0 : i32
    %dma_start3A_156 = tpu.memref_slice %arg2[%dma_start3A_155] : memref<65536000xf32, #tpu.memory_space<hbm>> -> memref<65536000xf32, #tpu.memory_space<hbm>>
    tpu.enqueue_indirect_dma source(%dma_start3A_156 : memref<65536000xf32, #tpu.memory_space<hbm>>) target(%dma_start3A_151 : memref<128xf32, #tpu.memory_space<vmem>>) offsets(%dma_start3A_154 : memref<128xi32, #tpu.memory_space<vmem>>) semaphore(%arg13 : memref<!tpu.dma_semaphore, #tpu.memory_space<semaphore_mem>>)
    %dma_start3A_157 = arith.constant 15 : i32
    %dma_start3A_158 = arith.constant 15 : i32
    %dma_start3A_159 = arith.constant 0 : i32
    %dma_start3A_160 = tpu.memref_slice %arg9[%dma_start3A_158, %dma_start3A_159] : memref<16x128xf32, #tpu.memory_space<vmem>> -> memref<1x128xf32, #tpu.memory_space<vmem>>
    %dma_start3A_161 = tpu.memref_squeeze %dma_start3A_160 : memref<1x128xf32, #tpu.memory_space<vmem>> -> memref<128xf32, #tpu.memory_space<vmem>>
    %dma_start3A_162 = arith.constant 0 : i32
    %dma_start3A_163 = tpu.memref_slice %arg8[%dma_start3A_157, %dma_start3A_162] : memref<16x128xi32, #tpu.memory_space<vmem>> -> memref<1x128xi32, #tpu.memory_space<vmem>>
    %dma_start3A_164 = tpu.memref_squeeze %dma_start3A_163 : memref<1x128xi32, #tpu.memory_space<vmem>> -> memref<128xi32, #tpu.memory_space<vmem>>
    %dma_start3A_165 = arith.constant 0 : i32
    %dma_start3A_166 = tpu.memref_slice %arg2[%dma_start3A_165] : memref<65536000xf32, #tpu.memory_space<hbm>> -> memref<65536000xf32, #tpu.memory_space<hbm>>
    tpu.enqueue_indirect_dma source(%dma_start3A_166 : memref<65536000xf32, #tpu.memory_space<hbm>>) target(%dma_start3A_161 : memref<128xf32, #tpu.memory_space<vmem>>) offsets(%dma_start3A_164 : memref<128xi32, #tpu.memory_space<vmem>>) semaphore(%arg13 : memref<!tpu.dma_semaphore, #tpu.memory_space<semaphore_mem>>)
    %dma_wait3A = arith.constant 0 : i32
    %dma_wait3A_167 = arith.constant 0 : i32
    %dma_wait3A_168 = arith.constant 0 : i32
    %dma_wait3A_169 = tpu.memref_slice %arg9[%dma_wait3A_167, %dma_wait3A_168] : memref<16x128xf32, #tpu.memory_space<vmem>> -> memref<1x128xf32, #tpu.memory_space<vmem>>
    %dma_wait3A_170 = tpu.memref_squeeze %dma_wait3A_169 : memref<1x128xf32, #tpu.memory_space<vmem>> -> memref<128xf32, #tpu.memory_space<vmem>>
    %dma_wait3A_171 = arith.constant 0 : i32
    %dma_wait3A_172 = tpu.memref_slice %arg8[%dma_wait3A, %dma_wait3A_171] : memref<16x128xi32, #tpu.memory_space<vmem>> -> memref<1x128xi32, #tpu.memory_space<vmem>>
    %dma_wait3A_173 = tpu.memref_squeeze %dma_wait3A_172 : memref<1x128xi32, #tpu.memory_space<vmem>> -> memref<128xi32, #tpu.memory_space<vmem>>
    %dma_wait3A_174 = arith.constant 0 : i32
    %dma_wait3A_175 = tpu.memref_slice %arg2[%dma_wait3A_174] : memref<65536000xf32, #tpu.memory_space<hbm>> -> memref<65536000xf32, #tpu.memory_space<hbm>>
    tpu.wait_indirect_dma semaphore(%arg13 : memref<!tpu.dma_semaphore, #tpu.memory_space<semaphore_mem>>) src(%dma_wait3A_175 : memref<65536000xf32, #tpu.memory_space<hbm>>) dst(%dma_wait3A_170 : memref<128xf32, #tpu.memory_space<vmem>>)
    %dma_wait3A_176 = arith.constant 1 : i32
    %dma_wait3A_177 = arith.constant 1 : i32
    %dma_wait3A_178 = arith.constant 0 : i32
    %dma_wait3A_179 = tpu.memref_slice %arg9[%dma_wait3A_177, %dma_wait3A_178] : memref<16x128xf32, #tpu.memory_space<vmem>> -> memref<1x128xf32, #tpu.memory_space<vmem>>
    %dma_wait3A_180 = tpu.memref_squeeze %dma_wait3A_179 : memref<1x128xf32, #tpu.memory_space<vmem>> -> memref<128xf32, #tpu.memory_space<vmem>>
    %dma_wait3A_181 = arith.constant 0 : i32
    %dma_wait3A_182 = tpu.memref_slice %arg8[%dma_wait3A_176, %dma_wait3A_181] : memref<16x128xi32, #tpu.memory_space<vmem>> -> memref<1x128xi32, #tpu.memory_space<vmem>>
    %dma_wait3A_183 = tpu.memref_squeeze %dma_wait3A_182 : memref<1x128xi32, #tpu.memory_space<vmem>> -> memref<128xi32, #tpu.memory_space<vmem>>
    %dma_wait3A_184 = arith.constant 0 : i32
    %dma_wait3A_185 = tpu.memref_slice %arg2[%dma_wait3A_184] : memref<65536000xf32, #tpu.memory_space<hbm>> -> memref<65536000xf32, #tpu.memory_space<hbm>>
    tpu.wait_indirect_dma semaphore(%arg13 : memref<!tpu.dma_semaphore, #tpu.memory_space<semaphore_mem>>) src(%dma_wait3A_185 : memref<65536000xf32, #tpu.memory_space<hbm>>) dst(%dma_wait3A_180 : memref<128xf32, #tpu.memory_space<vmem>>)
    %dma_wait3A_186 = arith.constant 2 : i32
    %dma_wait3A_187 = arith.constant 2 : i32
    %dma_wait3A_188 = arith.constant 0 : i32
    %dma_wait3A_189 = tpu.memref_slice %arg9[%dma_wait3A_187, %dma_wait3A_188] : memref<16x128xf32, #tpu.memory_space<vmem>> -> memref<1x128xf32, #tpu.memory_space<vmem>>
    %dma_wait3A_190 = tpu.memref_squeeze %dma_wait3A_189 : memref<1x128xf32, #tpu.memory_space<vmem>> -> memref<128xf32, #tpu.memory_space<vmem>>
    %dma_wait3A_191 = arith.constant 0 : i32
    %dma_wait3A_192 = tpu.memref_slice %arg8[%dma_wait3A_186, %dma_wait3A_191] : memref<16x128xi32, #tpu.memory_space<vmem>> -> memref<1x128xi32, #tpu.memory_space<vmem>>
    %dma_wait3A_193 = tpu.memref_squeeze %dma_wait3A_192 : memref<1x128xi32, #tpu.memory_space<vmem>> -> memref<128xi32, #tpu.memory_space<vmem>>
    %dma_wait3A_194 = arith.constant 0 : i32
    %dma_wait3A_195 = tpu.memref_slice %arg2[%dma_wait3A_194] : memref<65536000xf32, #tpu.memory_space<hbm>> -> memref<65536000xf32, #tpu.memory_space<hbm>>
    tpu.wait_indirect_dma semaphore(%arg13 : memref<!tpu.dma_semaphore, #tpu.memory_space<semaphore_mem>>) src(%dma_wait3A_195 : memref<65536000xf32, #tpu.memory_space<hbm>>) dst(%dma_wait3A_190 : memref<128xf32, #tpu.memory_space<vmem>>)
    %dma_wait3A_196 = arith.constant 3 : i32
    %dma_wait3A_197 = arith.constant 3 : i32
    %dma_wait3A_198 = arith.constant 0 : i32
    %dma_wait3A_199 = tpu.memref_slice %arg9[%dma_wait3A_197, %dma_wait3A_198] : memref<16x128xf32, #tpu.memory_space<vmem>> -> memref<1x128xf32, #tpu.memory_space<vmem>>
    %dma_wait3A_200 = tpu.memref_squeeze %dma_wait3A_199 : memref<1x128xf32, #tpu.memory_space<vmem>> -> memref<128xf32, #tpu.memory_space<vmem>>
    %dma_wait3A_201 = arith.constant 0 : i32
    %dma_wait3A_202 = tpu.memref_slice %arg8[%dma_wait3A_196, %dma_wait3A_201] : memref<16x128xi32, #tpu.memory_space<vmem>> -> memref<1x128xi32, #tpu.memory_space<vmem>>
    %dma_wait3A_203 = tpu.memref_squeeze %dma_wait3A_202 : memref<1x128xi32, #tpu.memory_space<vmem>> -> memref<128xi32, #tpu.memory_space<vmem>>
    %dma_wait3A_204 = arith.constant 0 : i32
    %dma_wait3A_205 = tpu.memref_slice %arg2[%dma_wait3A_204] : memref<65536000xf32, #tpu.memory_space<hbm>> -> memref<65536000xf32, #tpu.memory_space<hbm>>
    tpu.wait_indirect_dma semaphore(%arg13 : memref<!tpu.dma_semaphore, #tpu.memory_space<semaphore_mem>>) src(%dma_wait3A_205 : memref<65536000xf32, #tpu.memory_space<hbm>>) dst(%dma_wait3A_200 : memref<128xf32, #tpu.memory_space<vmem>>)
    %dma_wait3A_206 = arith.constant 4 : i32
    %dma_wait3A_207 = arith.constant 4 : i32
    %dma_wait3A_208 = arith.constant 0 : i32
    %dma_wait3A_209 = tpu.memref_slice %arg9[%dma_wait3A_207, %dma_wait3A_208] : memref<16x128xf32, #tpu.memory_space<vmem>> -> memref<1x128xf32, #tpu.memory_space<vmem>>
    %dma_wait3A_210 = tpu.memref_squeeze %dma_wait3A_209 : memref<1x128xf32, #tpu.memory_space<vmem>> -> memref<128xf32, #tpu.memory_space<vmem>>
    %dma_wait3A_211 = arith.constant 0 : i32
    %dma_wait3A_212 = tpu.memref_slice %arg8[%dma_wait3A_206, %dma_wait3A_211] : memref<16x128xi32, #tpu.memory_space<vmem>> -> memref<1x128xi32, #tpu.memory_space<vmem>>
    %dma_wait3A_213 = tpu.memref_squeeze %dma_wait3A_212 : memref<1x128xi32, #tpu.memory_space<vmem>> -> memref<128xi32, #tpu.memory_space<vmem>>
    %dma_wait3A_214 = arith.constant 0 : i32
    %dma_wait3A_215 = tpu.memref_slice %arg2[%dma_wait3A_214] : memref<65536000xf32, #tpu.memory_space<hbm>> -> memref<65536000xf32, #tpu.memory_space<hbm>>
    tpu.wait_indirect_dma semaphore(%arg13 : memref<!tpu.dma_semaphore, #tpu.memory_space<semaphore_mem>>) src(%dma_wait3A_215 : memref<65536000xf32, #tpu.memory_space<hbm>>) dst(%dma_wait3A_210 : memref<128xf32, #tpu.memory_space<vmem>>)
    %dma_wait3A_216 = arith.constant 5 : i32
    %dma_wait3A_217 = arith.constant 5 : i32
    %dma_wait3A_218 = arith.constant 0 : i32
    %dma_wait3A_219 = tpu.memref_slice %arg9[%dma_wait3A_217, %dma_wait3A_218] : memref<16x128xf32, #tpu.memory_space<vmem>> -> memref<1x128xf32, #tpu.memory_space<vmem>>
    %dma_wait3A_220 = tpu.memref_squeeze %dma_wait3A_219 : memref<1x128xf32, #tpu.memory_space<vmem>> -> memref<128xf32, #tpu.memory_space<vmem>>
    %dma_wait3A_221 = arith.constant 0 : i32
    %dma_wait3A_222 = tpu.memref_slice %arg8[%dma_wait3A_216, %dma_wait3A_221] : memref<16x128xi32, #tpu.memory_space<vmem>> -> memref<1x128xi32, #tpu.memory_space<vmem>>
    %dma_wait3A_223 = tpu.memref_squeeze %dma_wait3A_222 : memref<1x128xi32, #tpu.memory_space<vmem>> -> memref<128xi32, #tpu.memory_space<vmem>>
    %dma_wait3A_224 = arith.constant 0 : i32
    %dma_wait3A_225 = tpu.memref_slice %arg2[%dma_wait3A_224] : memref<65536000xf32, #tpu.memory_space<hbm>> -> memref<65536000xf32, #tpu.memory_space<hbm>>
    tpu.wait_indirect_dma semaphore(%arg13 : memref<!tpu.dma_semaphore, #tpu.memory_space<semaphore_mem>>) src(%dma_wait3A_225 : memref<65536000xf32, #tpu.memory_space<hbm>>) dst(%dma_wait3A_220 : memref<128xf32, #tpu.memory_space<vmem>>)
    %dma_wait3A_226 = arith.constant 6 : i32
    %dma_wait3A_227 = arith.constant 6 : i32
    %dma_wait3A_228 = arith.constant 0 : i32
    %dma_wait3A_229 = tpu.memref_slice %arg9[%dma_wait3A_227, %dma_wait3A_228] : memref<16x128xf32, #tpu.memory_space<vmem>> -> memref<1x128xf32, #tpu.memory_space<vmem>>
    %dma_wait3A_230 = tpu.memref_squeeze %dma_wait3A_229 : memref<1x128xf32, #tpu.memory_space<vmem>> -> memref<128xf32, #tpu.memory_space<vmem>>
    %dma_wait3A_231 = arith.constant 0 : i32
    %dma_wait3A_232 = tpu.memref_slice %arg8[%dma_wait3A_226, %dma_wait3A_231] : memref<16x128xi32, #tpu.memory_space<vmem>> -> memref<1x128xi32, #tpu.memory_space<vmem>>
    %dma_wait3A_233 = tpu.memref_squeeze %dma_wait3A_232 : memref<1x128xi32, #tpu.memory_space<vmem>> -> memref<128xi32, #tpu.memory_space<vmem>>
    %dma_wait3A_234 = arith.constant 0 : i32
    %dma_wait3A_235 = tpu.memref_slice %arg2[%dma_wait3A_234] : memref<65536000xf32, #tpu.memory_space<hbm>> -> memref<65536000xf32, #tpu.memory_space<hbm>>
    tpu.wait_indirect_dma semaphore(%arg13 : memref<!tpu.dma_semaphore, #tpu.memory_space<semaphore_mem>>) src(%dma_wait3A_235 : memref<65536000xf32, #tpu.memory_space<hbm>>) dst(%dma_wait3A_230 : memref<128xf32, #tpu.memory_space<vmem>>)
    %dma_wait3A_236 = arith.constant 7 : i32
    %dma_wait3A_237 = arith.constant 7 : i32
    %dma_wait3A_238 = arith.constant 0 : i32
    %dma_wait3A_239 = tpu.memref_slice %arg9[%dma_wait3A_237, %dma_wait3A_238] : memref<16x128xf32, #tpu.memory_space<vmem>> -> memref<1x128xf32, #tpu.memory_space<vmem>>
    %dma_wait3A_240 = tpu.memref_squeeze %dma_wait3A_239 : memref<1x128xf32, #tpu.memory_space<vmem>> -> memref<128xf32, #tpu.memory_space<vmem>>
    %dma_wait3A_241 = arith.constant 0 : i32
    %dma_wait3A_242 = tpu.memref_slice %arg8[%dma_wait3A_236, %dma_wait3A_241] : memref<16x128xi32, #tpu.memory_space<vmem>> -> memref<1x128xi32, #tpu.memory_space<vmem>>
    %dma_wait3A_243 = tpu.memref_squeeze %dma_wait3A_242 : memref<1x128xi32, #tpu.memory_space<vmem>> -> memref<128xi32, #tpu.memory_space<vmem>>
    %dma_wait3A_244 = arith.constant 0 : i32
    %dma_wait3A_245 = tpu.memref_slice %arg2[%dma_wait3A_244] : memref<65536000xf32, #tpu.memory_space<hbm>> -> memref<65536000xf32, #tpu.memory_space<hbm>>
    tpu.wait_indirect_dma semaphore(%arg13 : memref<!tpu.dma_semaphore, #tpu.memory_space<semaphore_mem>>) src(%dma_wait3A_245 : memref<65536000xf32, #tpu.memory_space<hbm>>) dst(%dma_wait3A_240 : memref<128xf32, #tpu.memory_space<vmem>>)
    %dma_wait3A_246 = arith.constant 8 : i32
    %dma_wait3A_247 = arith.constant 8 : i32
    %dma_wait3A_248 = arith.constant 0 : i32
    %dma_wait3A_249 = tpu.memref_slice %arg9[%dma_wait3A_247, %dma_wait3A_248] : memref<16x128xf32, #tpu.memory_space<vmem>> -> memref<1x128xf32, #tpu.memory_space<vmem>>
    %dma_wait3A_250 = tpu.memref_squeeze %dma_wait3A_249 : memref<1x128xf32, #tpu.memory_space<vmem>> -> memref<128xf32, #tpu.memory_space<vmem>>
    %dma_wait3A_251 = arith.constant 0 : i32
    %dma_wait3A_252 = tpu.memref_slice %arg8[%dma_wait3A_246, %dma_wait3A_251] : memref<16x128xi32, #tpu.memory_space<vmem>> -> memref<1x128xi32, #tpu.memory_space<vmem>>
    %dma_wait3A_253 = tpu.memref_squeeze %dma_wait3A_252 : memref<1x128xi32, #tpu.memory_space<vmem>> -> memref<128xi32, #tpu.memory_space<vmem>>
    %dma_wait3A_254 = arith.constant 0 : i32
    %dma_wait3A_255 = tpu.memref_slice %arg2[%dma_wait3A_254] : memref<65536000xf32, #tpu.memory_space<hbm>> -> memref<65536000xf32, #tpu.memory_space<hbm>>
    tpu.wait_indirect_dma semaphore(%arg13 : memref<!tpu.dma_semaphore, #tpu.memory_space<semaphore_mem>>) src(%dma_wait3A_255 : memref<65536000xf32, #tpu.memory_space<hbm>>) dst(%dma_wait3A_250 : memref<128xf32, #tpu.memory_space<vmem>>)
    %dma_wait3A_256 = arith.constant 9 : i32
    %dma_wait3A_257 = arith.constant 9 : i32
    %dma_wait3A_258 = arith.constant 0 : i32
    %dma_wait3A_259 = tpu.memref_slice %arg9[%dma_wait3A_257, %dma_wait3A_258] : memref<16x128xf32, #tpu.memory_space<vmem>> -> memref<1x128xf32, #tpu.memory_space<vmem>>
    %dma_wait3A_260 = tpu.memref_squeeze %dma_wait3A_259 : memref<1x128xf32, #tpu.memory_space<vmem>> -> memref<128xf32, #tpu.memory_space<vmem>>
    %dma_wait3A_261 = arith.constant 0 : i32
    %dma_wait3A_262 = tpu.memref_slice %arg8[%dma_wait3A_256, %dma_wait3A_261] : memref<16x128xi32, #tpu.memory_space<vmem>> -> memref<1x128xi32, #tpu.memory_space<vmem>>
    %dma_wait3A_263 = tpu.memref_squeeze %dma_wait3A_262 : memref<1x128xi32, #tpu.memory_space<vmem>> -> memref<128xi32, #tpu.memory_space<vmem>>
    %dma_wait3A_264 = arith.constant 0 : i32
    %dma_wait3A_265 = tpu.memref_slice %arg2[%dma_wait3A_264] : memref<65536000xf32, #tpu.memory_space<hbm>> -> memref<65536000xf32, #tpu.memory_space<hbm>>
    tpu.wait_indirect_dma semaphore(%arg13 : memref<!tpu.dma_semaphore, #tpu.memory_space<semaphore_mem>>) src(%dma_wait3A_265 : memref<65536000xf32, #tpu.memory_space<hbm>>) dst(%dma_wait3A_260 : memref<128xf32, #tpu.memory_space<vmem>>)
    %dma_wait3A_266 = arith.constant 10 : i32
    %dma_wait3A_267 = arith.constant 10 : i32
    %dma_wait3A_268 = arith.constant 0 : i32
    %dma_wait3A_269 = tpu.memref_slice %arg9[%dma_wait3A_267, %dma_wait3A_268] : memref<16x128xf32, #tpu.memory_space<vmem>> -> memref<1x128xf32, #tpu.memory_space<vmem>>
    %dma_wait3A_270 = tpu.memref_squeeze %dma_wait3A_269 : memref<1x128xf32, #tpu.memory_space<vmem>> -> memref<128xf32, #tpu.memory_space<vmem>>
    %dma_wait3A_271 = arith.constant 0 : i32
    %dma_wait3A_272 = tpu.memref_slice %arg8[%dma_wait3A_266, %dma_wait3A_271] : memref<16x128xi32, #tpu.memory_space<vmem>> -> memref<1x128xi32, #tpu.memory_space<vmem>>
    %dma_wait3A_273 = tpu.memref_squeeze %dma_wait3A_272 : memref<1x128xi32, #tpu.memory_space<vmem>> -> memref<128xi32, #tpu.memory_space<vmem>>
    %dma_wait3A_274 = arith.constant 0 : i32
    %dma_wait3A_275 = tpu.memref_slice %arg2[%dma_wait3A_274] : memref<65536000xf32, #tpu.memory_space<hbm>> -> memref<65536000xf32, #tpu.memory_space<hbm>>
    tpu.wait_indirect_dma semaphore(%arg13 : memref<!tpu.dma_semaphore, #tpu.memory_space<semaphore_mem>>) src(%dma_wait3A_275 : memref<65536000xf32, #tpu.memory_space<hbm>>) dst(%dma_wait3A_270 : memref<128xf32, #tpu.memory_space<vmem>>)
    %dma_wait3A_276 = arith.constant 11 : i32
    %dma_wait3A_277 = arith.constant 11 : i32
    %dma_wait3A_278 = arith.constant 0 : i32
    %dma_wait3A_279 = tpu.memref_slice %arg9[%dma_wait3A_277, %dma_wait3A_278] : memref<16x128xf32, #tpu.memory_space<vmem>> -> memref<1x128xf32, #tpu.memory_space<vmem>>
    %dma_wait3A_280 = tpu.memref_squeeze %dma_wait3A_279 : memref<1x128xf32, #tpu.memory_space<vmem>> -> memref<128xf32, #tpu.memory_space<vmem>>
    %dma_wait3A_281 = arith.constant 0 : i32
    %dma_wait3A_282 = tpu.memref_slice %arg8[%dma_wait3A_276, %dma_wait3A_281] : memref<16x128xi32, #tpu.memory_space<vmem>> -> memref<1x128xi32, #tpu.memory_space<vmem>>
    %dma_wait3A_283 = tpu.memref_squeeze %dma_wait3A_282 : memref<1x128xi32, #tpu.memory_space<vmem>> -> memref<128xi32, #tpu.memory_space<vmem>>
    %dma_wait3A_284 = arith.constant 0 : i32
    %dma_wait3A_285 = tpu.memref_slice %arg2[%dma_wait3A_284] : memref<65536000xf32, #tpu.memory_space<hbm>> -> memref<65536000xf32, #tpu.memory_space<hbm>>
    tpu.wait_indirect_dma semaphore(%arg13 : memref<!tpu.dma_semaphore, #tpu.memory_space<semaphore_mem>>) src(%dma_wait3A_285 : memref<65536000xf32, #tpu.memory_space<hbm>>) dst(%dma_wait3A_280 : memref<128xf32, #tpu.memory_space<vmem>>)
    %dma_wait3A_286 = arith.constant 12 : i32
    %dma_wait3A_287 = arith.constant 12 : i32
    %dma_wait3A_288 = arith.constant 0 : i32
    %dma_wait3A_289 = tpu.memref_slice %arg9[%dma_wait3A_287, %dma_wait3A_288] : memref<16x128xf32, #tpu.memory_space<vmem>> -> memref<1x128xf32, #tpu.memory_space<vmem>>
    %dma_wait3A_290 = tpu.memref_squeeze %dma_wait3A_289 : memref<1x128xf32, #tpu.memory_space<vmem>> -> memref<128xf32, #tpu.memory_space<vmem>>
    %dma_wait3A_291 = arith.constant 0 : i32
    %dma_wait3A_292 = tpu.memref_slice %arg8[%dma_wait3A_286, %dma_wait3A_291] : memref<16x128xi32, #tpu.memory_space<vmem>> -> memref<1x128xi32, #tpu.memory_space<vmem>>
    %dma_wait3A_293 = tpu.memref_squeeze %dma_wait3A_292 : memref<1x128xi32, #tpu.memory_space<vmem>> -> memref<128xi32, #tpu.memory_space<vmem>>
    %dma_wait3A_294 = arith.constant 0 : i32
    %dma_wait3A_295 = tpu.memref_slice %arg2[%dma_wait3A_294] : memref<65536000xf32, #tpu.memory_space<hbm>> -> memref<65536000xf32, #tpu.memory_space<hbm>>
    tpu.wait_indirect_dma semaphore(%arg13 : memref<!tpu.dma_semaphore, #tpu.memory_space<semaphore_mem>>) src(%dma_wait3A_295 : memref<65536000xf32, #tpu.memory_space<hbm>>) dst(%dma_wait3A_290 : memref<128xf32, #tpu.memory_space<vmem>>)
    %dma_wait3A_296 = arith.constant 13 : i32
    %dma_wait3A_297 = arith.constant 13 : i32
    %dma_wait3A_298 = arith.constant 0 : i32
    %dma_wait3A_299 = tpu.memref_slice %arg9[%dma_wait3A_297, %dma_wait3A_298] : memref<16x128xf32, #tpu.memory_space<vmem>> -> memref<1x128xf32, #tpu.memory_space<vmem>>
    %dma_wait3A_300 = tpu.memref_squeeze %dma_wait3A_299 : memref<1x128xf32, #tpu.memory_space<vmem>> -> memref<128xf32, #tpu.memory_space<vmem>>
    %dma_wait3A_301 = arith.constant 0 : i32
    %dma_wait3A_302 = tpu.memref_slice %arg8[%dma_wait3A_296, %dma_wait3A_301] : memref<16x128xi32, #tpu.memory_space<vmem>> -> memref<1x128xi32, #tpu.memory_space<vmem>>
    %dma_wait3A_303 = tpu.memref_squeeze %dma_wait3A_302 : memref<1x128xi32, #tpu.memory_space<vmem>> -> memref<128xi32, #tpu.memory_space<vmem>>
    %dma_wait3A_304 = arith.constant 0 : i32
    %dma_wait3A_305 = tpu.memref_slice %arg2[%dma_wait3A_304] : memref<65536000xf32, #tpu.memory_space<hbm>> -> memref<65536000xf32, #tpu.memory_space<hbm>>
    tpu.wait_indirect_dma semaphore(%arg13 : memref<!tpu.dma_semaphore, #tpu.memory_space<semaphore_mem>>) src(%dma_wait3A_305 : memref<65536000xf32, #tpu.memory_space<hbm>>) dst(%dma_wait3A_300 : memref<128xf32, #tpu.memory_space<vmem>>)
    %dma_wait3A_306 = arith.constant 14 : i32
    %dma_wait3A_307 = arith.constant 14 : i32
    %dma_wait3A_308 = arith.constant 0 : i32
    %dma_wait3A_309 = tpu.memref_slice %arg9[%dma_wait3A_307, %dma_wait3A_308] : memref<16x128xf32, #tpu.memory_space<vmem>> -> memref<1x128xf32, #tpu.memory_space<vmem>>
    %dma_wait3A_310 = tpu.memref_squeeze %dma_wait3A_309 : memref<1x128xf32, #tpu.memory_space<vmem>> -> memref<128xf32, #tpu.memory_space<vmem>>
    %dma_wait3A_311 = arith.constant 0 : i32
    %dma_wait3A_312 = tpu.memref_slice %arg8[%dma_wait3A_306, %dma_wait3A_311] : memref<16x128xi32, #tpu.memory_space<vmem>> -> memref<1x128xi32, #tpu.memory_space<vmem>>
    %dma_wait3A_313 = tpu.memref_squeeze %dma_wait3A_312 : memref<1x128xi32, #tpu.memory_space<vmem>> -> memref<128xi32, #tpu.memory_space<vmem>>
    %dma_wait3A_314 = arith.constant 0 : i32
    %dma_wait3A_315 = tpu.memref_slice %arg2[%dma_wait3A_314] : memref<65536000xf32, #tpu.memory_space<hbm>> -> memref<65536000xf32, #tpu.memory_space<hbm>>
    tpu.wait_indirect_dma semaphore(%arg13 : memref<!tpu.dma_semaphore, #tpu.memory_space<semaphore_mem>>) src(%dma_wait3A_315 : memref<65536000xf32, #tpu.memory_space<hbm>>) dst(%dma_wait3A_310 : memref<128xf32, #tpu.memory_space<vmem>>)
    %dma_wait3A_316 = arith.constant 15 : i32
    %dma_wait3A_317 = arith.constant 15 : i32
    %dma_wait3A_318 = arith.constant 0 : i32
    %dma_wait3A_319 = tpu.memref_slice %arg9[%dma_wait3A_317, %dma_wait3A_318] : memref<16x128xf32, #tpu.memory_space<vmem>> -> memref<1x128xf32, #tpu.memory_space<vmem>>
    %dma_wait3A_320 = tpu.memref_squeeze %dma_wait3A_319 : memref<1x128xf32, #tpu.memory_space<vmem>> -> memref<128xf32, #tpu.memory_space<vmem>>
    %dma_wait3A_321 = arith.constant 0 : i32
    %dma_wait3A_322 = tpu.memref_slice %arg8[%dma_wait3A_316, %dma_wait3A_321] : memref<16x128xi32, #tpu.memory_space<vmem>> -> memref<1x128xi32, #tpu.memory_space<vmem>>
    %dma_wait3A_323 = tpu.memref_squeeze %dma_wait3A_322 : memref<1x128xi32, #tpu.memory_space<vmem>> -> memref<128xi32, #tpu.memory_space<vmem>>
    %dma_wait3A_324 = arith.constant 0 : i32
    %dma_wait3A_325 = tpu.memref_slice %arg2[%dma_wait3A_324] : memref<65536000xf32, #tpu.memory_space<hbm>> -> memref<65536000xf32, #tpu.memory_space<hbm>>
    tpu.wait_indirect_dma semaphore(%arg13 : memref<!tpu.dma_semaphore, #tpu.memory_space<semaphore_mem>>) src(%dma_wait3A_325 : memref<65536000xf32, #tpu.memory_space<hbm>>) dst(%dma_wait3A_320 : memref<128xf32, #tpu.memory_space<vmem>>)
    %broadcast_in_dim3A = arith.constant 0.000000e+00 : f32
    %broadcast_in_dim3A_326 = vector.broadcast %broadcast_in_dim3A : f32 to vector<16xf32>
    %swap3A = arith.constant 0 : index
    %swap3A_327 = tpu.vector_load %arg12[%swap3A] {strides = array<i32>} : memref<96xf32, #tpu.memory_space<vmem>>, vector<16xf32>,
    tpu.vector_store %arg12[%swap3A], %broadcast_in_dim3A_326 {strides = array<i32>} : memref<96xf32, #tpu.memory_space<vmem>>, vector<16xf32>,
    %broadcast_in_dim3A_328 = arith.constant 0.000000e+00 : f32
    %broadcast_in_dim3A_329 = vector.broadcast %broadcast_in_dim3A_328 : f32 to vector<16xf32>
    %swap3A_330 = arith.constant 16 : index
    %swap3A_331 = tpu.vector_load %arg12[%swap3A_330] {strides = array<i32>} : memref<96xf32, #tpu.memory_space<vmem>>, vector<16xf32>,
    tpu.vector_store %arg12[%swap3A_330], %broadcast_in_dim3A_329 {strides = array<i32>} : memref<96xf32, #tpu.memory_space<vmem>>, vector<16xf32>,
    %broadcast_in_dim3A_332 = arith.constant 0.000000e+00 : f32
    %broadcast_in_dim3A_333 = vector.broadcast %broadcast_in_dim3A_332 : f32 to vector<16xf32>
    %swap3A_334 = arith.constant 32 : index
    %swap3A_335 = tpu.vector_load %arg12[%swap3A_334] {strides = array<i32>} : memref<96xf32, #tpu.memory_space<vmem>>, vector<16xf32>,
    tpu.vector_store %arg12[%swap3A_334], %broadcast_in_dim3A_333 {strides = array<i32>} : memref<96xf32, #tpu.memory_space<vmem>>, vector<16xf32>,
    %broadcast_in_dim3A_336 = arith.constant 0.000000e+00 : f32
    %broadcast_in_dim3A_337 = vector.broadcast %broadcast_in_dim3A_336 : f32 to vector<16xf32>
    %swap3A_338 = arith.constant 48 : index
    %swap3A_339 = tpu.vector_load %arg12[%swap3A_338] {strides = array<i32>} : memref<96xf32, #tpu.memory_space<vmem>>, vector<16xf32>,
    tpu.vector_store %arg12[%swap3A_338], %broadcast_in_dim3A_337 {strides = array<i32>} : memref<96xf32, #tpu.memory_space<vmem>>, vector<16xf32>,
    %broadcast_in_dim3A_340 = arith.constant 0.000000e+00 : f32
    %broadcast_in_dim3A_341 = vector.broadcast %broadcast_in_dim3A_340 : f32 to vector<16xf32>
    %swap3A_342 = arith.constant 64 : index
    %swap3A_343 = tpu.vector_load %arg12[%swap3A_342] {strides = array<i32>} : memref<96xf32, #tpu.memory_space<vmem>>, vector<16xf32>,
    tpu.vector_store %arg12[%swap3A_342], %broadcast_in_dim3A_341 {strides = array<i32>} : memref<96xf32, #tpu.memory_space<vmem>>, vector<16xf32>,
    %broadcast_in_dim3A_344 = arith.constant 0.000000e+00 : f32
    %broadcast_in_dim3A_345 = vector.broadcast %broadcast_in_dim3A_344 : f32 to vector<16xf32>
    %swap3A_346 = arith.constant 80 : index
    %swap3A_347 = tpu.vector_load %arg12[%swap3A_346] {strides = array<i32>} : memref<96xf32, #tpu.memory_space<vmem>>, vector<16xf32>,
    tpu.vector_store %arg12[%swap3A_346], %broadcast_in_dim3A_345 {strides = array<i32>} : memref<96xf32, #tpu.memory_space<vmem>>, vector<16xf32>,
    %broadcast_in_dim3A_348 = arith.constant 0.000000e+00 : f32
    %broadcast_in_dim3A_349 = vector.broadcast %broadcast_in_dim3A_348 : f32 to vector<16xf32>
    %add3A_350 = arith.constant 1.000000e+00 : f32
    %add3A_351 = vector.broadcast %add3A_350 : f32 to vector<16xf32>
    %add3A_352 = arith.addf %broadcast_in_dim3A_349, %add3A_351 : vector<16xf32>
    %scan3A_353 = arith.constant 0 : i32
    %scan3A_354 = arith.constant 0 : i32
    %scan3A_355 = arith.constant 128 : i32
    %scan3A_356 = arith.addi %scan3A_354, %scan3A_355 : i32
    %scan3A_357 = arith.constant 1 : i32
    scf.for %scan3A_359 = %scan3A_354 to %scan3A_356 step %scan3A_357  : i32 {
      %jit3A = arith.constant 8 : i32
      %div3A = arith.divsi %scan3A_359, %jit3A : i32
      %sign3A = arith.constant 0 : i32
      %sign3A_360 = arith.cmpi sgt, %scan3A_359, %sign3A : i32
      %sign3A_361 = arith.extui %sign3A_360 : i1 to i32
      %sign3A_362 = arith.constant 0 : i32
      %sign3A_363 = arith.cmpi slt, %scan3A_359, %sign3A_362 : i32
      %sign3A_364 = arith.extui %sign3A_363 : i1 to i32
      %sign3A_365 = arith.subi %sign3A_361, %sign3A_364 : i32
      %sign3A_366 = arith.constant 0 : i32
      %sign3A_367 = arith.cmpi sgt, %jit3A, %sign3A_366 : i32
      %sign3A_368 = arith.extui %sign3A_367 : i1 to i32
      %sign3A_369 = arith.constant 0 : i32
      %sign3A_370 = arith.cmpi slt, %jit3A, %sign3A_369 : i32
      %sign3A_371 = arith.extui %sign3A_370 : i1 to i32
      %sign3A_372 = arith.subi %sign3A_368, %sign3A_371 : i32
      %ne3A = arith.cmpi ne, %sign3A_365, %sign3A_372 : i32
      %rem3A = arith.remsi %scan3A_359, %jit3A : i32
      %ne3A_373 = arith.constant 0 : i32
      %ne3A_374 = arith.cmpi ne, %rem3A, %ne3A_373 : i32
      %and3A = arith.andi %ne3A, %ne3A_374 : i1
      %sub3A = arith.constant 1 : i32
      %sub3A_375 = arith.subi %div3A, %sub3A : i32
      %select_n3A = arith.select %and3A, %sub3A_375, %div3A : i32
      %jit3A_376 = arith.constant 8 : i32
      %eq3A = arith.constant 0 : i32
      %eq3A_377 = arith.cmpi eq, %jit3A_376, %eq3A : i32
      %jit3A_378 = arith.constant 1 : i32
      %select_n3A_379 = arith.select %eq3A_377, %jit3A_378, %jit3A_376 : i32
      %rem3A_380 = arith.remsi %scan3A_359, %select_n3A_379 : i32
      %ne3A_381 = arith.constant 0 : i32
      %ne3A_382 = arith.cmpi ne, %rem3A_380, %ne3A_381 : i32
      %lt3A = arith.constant 0 : i32
      %lt3A_383 = arith.cmpi slt, %rem3A_380, %lt3A : i32
      %lt3A_384 = arith.constant 0 : i32
      %lt3A_385 = arith.cmpi slt, %select_n3A_379, %lt3A_384 : i32
      %ne3A_386 = arith.xori %lt3A_383, %lt3A_385 : i1
      %and3A_387 = arith.andi %ne3A_386, %ne3A_382 : i1
      %add3A_388 = arith.addi %rem3A_380, %select_n3A_379 : i32
      %select_n3A_389 = arith.select %and3A_387, %add3A_388, %rem3A_380 : i32
      %mul3A_390 = arith.constant 16 : i32
      %mul3A_391 = arith.muli %select_n3A_389, %mul3A_390 : i32
      %get3A = arith.index_cast %select_n3A : i32 to index
      %get3A_392 = arith.index_cast %mul3A_391 : i32 to index
      %get3A_393 = tpu.vector_load %arg9[%get3A, %get3A_392] {strides = array<i32>} : memref<16x128xf32, #tpu.memory_space<vmem>>, vector<16xf32>,
      %mul3A_394 = arith.constant 16 : i32
      %mul3A_395 = arith.muli %scan3A_359, %mul3A_394 : i32
      %get3A_396 = arith.index_cast %mul3A_395 : i32 to index
      %get3A_397 = tpu.vector_load %arg10[%get3A_396] {strides = array<i32>} : memref<2048xf32, #tpu.memory_space<vmem>>, vector<16xf32>,
      %mul3A_398 = arith.constant 16 : i32
      %mul3A_399 = arith.muli %scan3A_359, %mul3A_398 : i32
      %get3A_400 = arith.index_cast %mul3A_399 : i32 to index
      %get3A_401 = tpu.vector_load %arg11[%get3A_400] {strides = array<i32>} : memref<2048xf32, #tpu.memory_space<vmem>>, vector<16xf32>,
      %eq3A_402 = arith.cmpf oeq, %get3A_393, %get3A_397 : vector<16xf32>
      %jit3A_403 = arith.constant 1.000000e+00 : f32
      %jit3A_404 = arith.constant 0.000000e+00 : f32
      %broadcast_in_dim3A_405 = vector.broadcast %jit3A_403 : f32 to vector<16xf32>
      %broadcast_in_dim3A_406 = vector.broadcast %jit3A_404 : f32 to vector<16xf32>
      %select_n3A_407 = arith.select %eq3A_402, %broadcast_in_dim3A_405, %broadcast_in_dim3A_406 : vector<16xi1>, vector<16xf32>
      %mul3A_408 = arith.constant 2.500000e+01 : f32
      %mul3A_409 = vector.broadcast %mul3A_408 : f32 to vector<16xf32>
      %mul3A_410 = arith.mulf %get3A_401, %mul3A_409 : vector<16xf32>
      %convert_element_type3A = arith.fptosi %mul3A_410 : vector<16xf32> to vector<16xi32>
      %convert_element_type3A_411 = arith.sitofp %convert_element_type3A : vector<16xi32> to vector<16xf32>
      %eq3A_412 = arith.cmpf oeq, %convert_element_type3A_411, %mul3A_410 : vector<16xf32>
      %jit3A_413 = arith.constant 1 : i32
      %jit3A_414 = arith.constant 0 : i32
      %broadcast_in_dim3A_415 = vector.broadcast %jit3A_413 : i32 to vector<16xi32>
      %broadcast_in_dim3A_416 = vector.broadcast %jit3A_414 : i32 to vector<16xi32>
      %select_n3A_417 = arith.select %eq3A_412, %broadcast_in_dim3A_415, %broadcast_in_dim3A_416 : vector<16xi1>, vector<16xi32>
      %sub3A_418 = arith.subi %convert_element_type3A, %select_n3A_417 : vector<16xi32>
      %max3A = arith.constant 0 : i32
      %max3A_419 = vector.broadcast %max3A : i32 to vector<16xi32>
      %max3A_420 = arith.maxsi %sub3A_418, %max3A_419 : vector<16xi32>
      %min3A = arith.constant 31 : i32
      %min3A_421 = vector.broadcast %min3A : i32 to vector<16xi32>
      %min3A_422 = arith.minsi %max3A_420, %min3A_421 : vector<16xi32>
      tpu.vector_store_idx %arg12[%min3A_422], %add3A_352 {add = true} : memref<96xf32, #tpu.memory_space<vmem>>[vector<16xi32>], vector<16xf32>,
      %add3A_423 = arith.constant 32 : i32
      %add3A_424 = vector.broadcast %add3A_423 : i32 to vector<16xi32>
      %add3A_425 = arith.addi %min3A_422, %add3A_424 : vector<16xi32>
      tpu.vector_store_idx %arg12[%add3A_425], %get3A_401 {add = true} : memref<96xf32, #tpu.memory_space<vmem>>[vector<16xi32>], vector<16xf32>,
      %add3A_426 = arith.constant 64 : i32
      %add3A_427 = vector.broadcast %add3A_426 : i32 to vector<16xi32>
      %add3A_428 = arith.addi %min3A_422, %add3A_427 : vector<16xi32>
      tpu.vector_store_idx %arg12[%add3A_428], %select_n3A_407 {add = true} : memref<96xf32, #tpu.memory_space<vmem>>[vector<16xi32>], vector<16xf32>,
    }
    %scan3A_358 = arith.constant 128 : i32
    "tpu.region"() ({
      %run_scoped3A = tpu.sem_alloc : memref<!tpu.dma_semaphore, #tpu.memory_space<semaphore_mem>>
      %dma_start3A_359 = arith.constant 0 : i32
      %dma_start3A_360 = tpu.memref_slice %arg6[%add3A, %dma_start3A_359] : memref<32x96xf32, #tpu.memory_space<hbm>> -> memref<1x96xf32, #tpu.memory_space<hbm>>
      %dma_start3A_361 = tpu.memref_squeeze %dma_start3A_360 : memref<1x96xf32, #tpu.memory_space<hbm>> -> memref<96xf32, #tpu.memory_space<hbm>>
      %dma_start3A_362 = arith.constant 0 : i32
      %dma_start3A_363 = tpu.memref_slice %arg6[%add3A, %dma_start3A_362] : memref<32x96xf32, #tpu.memory_space<hbm>> -> memref<1x96xf32, #tpu.memory_space<hbm>>
      %dma_start3A_364 = tpu.memref_squeeze %dma_start3A_363 : memref<1x96xf32, #tpu.memory_space<hbm>> -> memref<96xf32, #tpu.memory_space<hbm>>
      tpu.enqueue_dma source(%arg12 : memref<96xf32, #tpu.memory_space<vmem>>) target(%dma_start3A_364 : memref<96xf32, #tpu.memory_space<hbm>>) target_semaphore(%run_scoped3A : memref<!tpu.dma_semaphore, #tpu.memory_space<semaphore_mem>>)
      %dma_wait3A_365 = arith.constant 0 : i32
      %dma_wait3A_366 = tpu.memref_slice %arg6[%add3A, %dma_wait3A_365] : memref<32x96xf32, #tpu.memory_space<hbm>> -> memref<1x96xf32, #tpu.memory_space<hbm>>
      %dma_wait3A_367 = tpu.memref_squeeze %dma_wait3A_366 : memref<1x96xf32, #tpu.memory_space<hbm>> -> memref<96xf32, #tpu.memory_space<hbm>>
      %dma_wait3A_368 = arith.constant 0 : i32
      %dma_wait3A_369 = tpu.memref_slice %arg6[%add3A, %dma_wait3A_368] : memref<32x96xf32, #tpu.memory_space<hbm>> -> memref<1x96xf32, #tpu.memory_space<hbm>>
      %dma_wait3A_370 = tpu.memref_squeeze %dma_wait3A_369 : memref<1x96xf32, #tpu.memory_space<hbm>> -> memref<96xf32, #tpu.memory_space<hbm>>
      tpu.wait_dma2 semaphore(%run_scoped3A : memref<!tpu.dma_semaphore, #tpu.memory_space<semaphore_mem>>) src(%arg12 : memref<96xf32, #tpu.memory_space<vmem>>) dst(%dma_wait3A_370 : memref<96xf32, #tpu.memory_space<hbm>>)
      tpu.yield
    }) : () -> ()
    return
  }
}

module attributes {stable_mosaic.version = 14 : i64} {
  func.func @_rowstats_body(%arg0: memref<65536x1000xf32, #tpu.memory_space<any>>, %arg1: memref<512x128xf32, #tpu.memory_space<vmem>>, %arg2: memref<512x128xf32, #tpu.memory_space<vmem>>, %arg3: memref<4096x1000xf32, #tpu.memory_space<vmem>>, %arg4: memref<8x!tpu.dma_semaphore, #tpu.memory_space<semaphore_mem>>) attributes {dimension_semantics = [], scalar_prefetch = 0 : i64, scratch_operands = 2 : i64, tpu.core_type = #tpu.core_type<tc>} {
    %dma_start3A = arith.constant 0 : i32
    %dma_start3A_0 = tpu.memref_slice %arg4[%dma_start3A] : memref<8x!tpu.dma_semaphore, #tpu.memory_space<semaphore_mem>> -> memref<1x!tpu.dma_semaphore, #tpu.memory_space<semaphore_mem>>
    %dma_start3A_1 = tpu.memref_squeeze %dma_start3A_0 : memref<1x!tpu.dma_semaphore, #tpu.memory_space<semaphore_mem>> -> memref<!tpu.dma_semaphore, #tpu.memory_space<semaphore_mem>>
    %dma_start3A_2 = arith.constant 0 : i32
    %dma_start3A_3 = arith.constant 0 : i32
    %dma_start3A_4 = tpu.memref_slice %arg3[%dma_start3A_2, %dma_start3A_3] : memref<4096x1000xf32, #tpu.memory_space<vmem>> -> memref<512x1000xf32, #tpu.memory_space<vmem>>
    %dma_start3A_5 = arith.constant 0 : i32
    %dma_start3A_6 = arith.constant 0 : i32
    %dma_start3A_7 = tpu.memref_slice %arg0[%dma_start3A_5, %dma_start3A_6] : memref<65536x1000xf32, #tpu.memory_space<any>> -> memref<512x1000xf32, #tpu.memory_space<any>>
    tpu.enqueue_dma source(%dma_start3A_7 : memref<512x1000xf32, #tpu.memory_space<any>>) target(%dma_start3A_4 : memref<512x1000xf32, #tpu.memory_space<vmem>>) target_semaphore(%dma_start3A_1 : memref<!tpu.dma_semaphore, #tpu.memory_space<semaphore_mem>>)
    %dma_start3A_8 = arith.constant 1 : i32
    %dma_start3A_9 = tpu.memref_slice %arg4[%dma_start3A_8] : memref<8x!tpu.dma_semaphore, #tpu.memory_space<semaphore_mem>> -> memref<1x!tpu.dma_semaphore, #tpu.memory_space<semaphore_mem>>
    %dma_start3A_10 = tpu.memref_squeeze %dma_start3A_9 : memref<1x!tpu.dma_semaphore, #tpu.memory_space<semaphore_mem>> -> memref<!tpu.dma_semaphore, #tpu.memory_space<semaphore_mem>>
    %dma_start3A_11 = arith.constant 512 : i32
    %dma_start3A_12 = arith.constant 0 : i32
    %dma_start3A_13 = tpu.memref_slice %arg3[%dma_start3A_11, %dma_start3A_12] : memref<4096x1000xf32, #tpu.memory_space<vmem>> -> memref<512x1000xf32, #tpu.memory_space<vmem>>
    %dma_start3A_14 = arith.constant 512 : i32
    %dma_start3A_15 = arith.constant 0 : i32
    %dma_start3A_16 = tpu.memref_slice %arg0[%dma_start3A_14, %dma_start3A_15] : memref<65536x1000xf32, #tpu.memory_space<any>> -> memref<512x1000xf32, #tpu.memory_space<any>>
    tpu.enqueue_dma source(%dma_start3A_16 : memref<512x1000xf32, #tpu.memory_space<any>>) target(%dma_start3A_13 : memref<512x1000xf32, #tpu.memory_space<vmem>>) target_semaphore(%dma_start3A_10 : memref<!tpu.dma_semaphore, #tpu.memory_space<semaphore_mem>>)
    %dma_start3A_17 = arith.constant 2 : i32
    %dma_start3A_18 = tpu.memref_slice %arg4[%dma_start3A_17] : memref<8x!tpu.dma_semaphore, #tpu.memory_space<semaphore_mem>> -> memref<1x!tpu.dma_semaphore, #tpu.memory_space<semaphore_mem>>
    %dma_start3A_19 = tpu.memref_squeeze %dma_start3A_18 : memref<1x!tpu.dma_semaphore, #tpu.memory_space<semaphore_mem>> -> memref<!tpu.dma_semaphore, #tpu.memory_space<semaphore_mem>>
    %dma_start3A_20 = arith.constant 1024 : i32
    %dma_start3A_21 = arith.constant 0 : i32
    %dma_start3A_22 = tpu.memref_slice %arg3[%dma_start3A_20, %dma_start3A_21] : memref<4096x1000xf32, #tpu.memory_space<vmem>> -> memref<512x1000xf32, #tpu.memory_space<vmem>>
    %dma_start3A_23 = arith.constant 1024 : i32
    %dma_start3A_24 = arith.constant 0 : i32
    %dma_start3A_25 = tpu.memref_slice %arg0[%dma_start3A_23, %dma_start3A_24] : memref<65536x1000xf32, #tpu.memory_space<any>> -> memref<512x1000xf32, #tpu.memory_space<any>>
    tpu.enqueue_dma source(%dma_start3A_25 : memref<512x1000xf32, #tpu.memory_space<any>>) target(%dma_start3A_22 : memref<512x1000xf32, #tpu.memory_space<vmem>>) target_semaphore(%dma_start3A_19 : memref<!tpu.dma_semaphore, #tpu.memory_space<semaphore_mem>>)
    %dma_start3A_26 = arith.constant 3 : i32
    %dma_start3A_27 = tpu.memref_slice %arg4[%dma_start3A_26] : memref<8x!tpu.dma_semaphore, #tpu.memory_space<semaphore_mem>> -> memref<1x!tpu.dma_semaphore, #tpu.memory_space<semaphore_mem>>
    %dma_start3A_28 = tpu.memref_squeeze %dma_start3A_27 : memref<1x!tpu.dma_semaphore, #tpu.memory_space<semaphore_mem>> -> memref<!tpu.dma_semaphore, #tpu.memory_space<semaphore_mem>>
    %dma_start3A_29 = arith.constant 1536 : i32
    %dma_start3A_30 = arith.constant 0 : i32
    %dma_start3A_31 = tpu.memref_slice %arg3[%dma_start3A_29, %dma_start3A_30] : memref<4096x1000xf32, #tpu.memory_space<vmem>> -> memref<512x1000xf32, #tpu.memory_space<vmem>>
    %dma_start3A_32 = arith.constant 1536 : i32
    %dma_start3A_33 = arith.constant 0 : i32
    %dma_start3A_34 = tpu.memref_slice %arg0[%dma_start3A_32, %dma_start3A_33] : memref<65536x1000xf32, #tpu.memory_space<any>> -> memref<512x1000xf32, #tpu.memory_space<any>>
    tpu.enqueue_dma source(%dma_start3A_34 : memref<512x1000xf32, #tpu.memory_space<any>>) target(%dma_start3A_31 : memref<512x1000xf32, #tpu.memory_space<vmem>>) target_semaphore(%dma_start3A_28 : memref<!tpu.dma_semaphore, #tpu.memory_space<semaphore_mem>>)
    %dma_start3A_35 = arith.constant 4 : i32
    %dma_start3A_36 = tpu.memref_slice %arg4[%dma_start3A_35] : memref<8x!tpu.dma_semaphore, #tpu.memory_space<semaphore_mem>> -> memref<1x!tpu.dma_semaphore, #tpu.memory_space<semaphore_mem>>
    %dma_start3A_37 = tpu.memref_squeeze %dma_start3A_36 : memref<1x!tpu.dma_semaphore, #tpu.memory_space<semaphore_mem>> -> memref<!tpu.dma_semaphore, #tpu.memory_space<semaphore_mem>>
    %dma_start3A_38 = arith.constant 2048 : i32
    %dma_start3A_39 = arith.constant 0 : i32
    %dma_start3A_40 = tpu.memref_slice %arg3[%dma_start3A_38, %dma_start3A_39] : memref<4096x1000xf32, #tpu.memory_space<vmem>> -> memref<512x1000xf32, #tpu.memory_space<vmem>>
    %dma_start3A_41 = arith.constant 2048 : i32
    %dma_start3A_42 = arith.constant 0 : i32
    %dma_start3A_43 = tpu.memref_slice %arg0[%dma_start3A_41, %dma_start3A_42] : memref<65536x1000xf32, #tpu.memory_space<any>> -> memref<512x1000xf32, #tpu.memory_space<any>>
    tpu.enqueue_dma source(%dma_start3A_43 : memref<512x1000xf32, #tpu.memory_space<any>>) target(%dma_start3A_40 : memref<512x1000xf32, #tpu.memory_space<vmem>>) target_semaphore(%dma_start3A_37 : memref<!tpu.dma_semaphore, #tpu.memory_space<semaphore_mem>>)
    %dma_start3A_44 = arith.constant 5 : i32
    %dma_start3A_45 = tpu.memref_slice %arg4[%dma_start3A_44] : memref<8x!tpu.dma_semaphore, #tpu.memory_space<semaphore_mem>> -> memref<1x!tpu.dma_semaphore, #tpu.memory_space<semaphore_mem>>
    %dma_start3A_46 = tpu.memref_squeeze %dma_start3A_45 : memref<1x!tpu.dma_semaphore, #tpu.memory_space<semaphore_mem>> -> memref<!tpu.dma_semaphore, #tpu.memory_space<semaphore_mem>>
    %dma_start3A_47 = arith.constant 2560 : i32
    %dma_start3A_48 = arith.constant 0 : i32
    %dma_start3A_49 = tpu.memref_slice %arg3[%dma_start3A_47, %dma_start3A_48] : memref<4096x1000xf32, #tpu.memory_space<vmem>> -> memref<512x1000xf32, #tpu.memory_space<vmem>>
    %dma_start3A_50 = arith.constant 2560 : i32
    %dma_start3A_51 = arith.constant 0 : i32
    %dma_start3A_52 = tpu.memref_slice %arg0[%dma_start3A_50, %dma_start3A_51] : memref<65536x1000xf32, #tpu.memory_space<any>> -> memref<512x1000xf32, #tpu.memory_space<any>>
    tpu.enqueue_dma source(%dma_start3A_52 : memref<512x1000xf32, #tpu.memory_space<any>>) target(%dma_start3A_49 : memref<512x1000xf32, #tpu.memory_space<vmem>>) target_semaphore(%dma_start3A_46 : memref<!tpu.dma_semaphore, #tpu.memory_space<semaphore_mem>>)
    %dma_start3A_53 = arith.constant 6 : i32
    %dma_start3A_54 = tpu.memref_slice %arg4[%dma_start3A_53] : memref<8x!tpu.dma_semaphore, #tpu.memory_space<semaphore_mem>> -> memref<1x!tpu.dma_semaphore, #tpu.memory_space<semaphore_mem>>
    %dma_start3A_55 = tpu.memref_squeeze %dma_start3A_54 : memref<1x!tpu.dma_semaphore, #tpu.memory_space<semaphore_mem>> -> memref<!tpu.dma_semaphore, #tpu.memory_space<semaphore_mem>>
    %dma_start3A_56 = arith.constant 3072 : i32
    %dma_start3A_57 = arith.constant 0 : i32
    %dma_start3A_58 = tpu.memref_slice %arg3[%dma_start3A_56, %dma_start3A_57] : memref<4096x1000xf32, #tpu.memory_space<vmem>> -> memref<512x1000xf32, #tpu.memory_space<vmem>>
    %dma_start3A_59 = arith.constant 3072 : i32
    %dma_start3A_60 = arith.constant 0 : i32
    %dma_start3A_61 = tpu.memref_slice %arg0[%dma_start3A_59, %dma_start3A_60] : memref<65536x1000xf32, #tpu.memory_space<any>> -> memref<512x1000xf32, #tpu.memory_space<any>>
    tpu.enqueue_dma source(%dma_start3A_61 : memref<512x1000xf32, #tpu.memory_space<any>>) target(%dma_start3A_58 : memref<512x1000xf32, #tpu.memory_space<vmem>>) target_semaphore(%dma_start3A_55 : memref<!tpu.dma_semaphore, #tpu.memory_space<semaphore_mem>>)
    %dma_start3A_62 = arith.constant 7 : i32
    %dma_start3A_63 = tpu.memref_slice %arg4[%dma_start3A_62] : memref<8x!tpu.dma_semaphore, #tpu.memory_space<semaphore_mem>> -> memref<1x!tpu.dma_semaphore, #tpu.memory_space<semaphore_mem>>
    %dma_start3A_64 = tpu.memref_squeeze %dma_start3A_63 : memref<1x!tpu.dma_semaphore, #tpu.memory_space<semaphore_mem>> -> memref<!tpu.dma_semaphore, #tpu.memory_space<semaphore_mem>>
    %dma_start3A_65 = arith.constant 3584 : i32
    %dma_start3A_66 = arith.constant 0 : i32
    %dma_start3A_67 = tpu.memref_slice %arg3[%dma_start3A_65, %dma_start3A_66] : memref<4096x1000xf32, #tpu.memory_space<vmem>> -> memref<512x1000xf32, #tpu.memory_space<vmem>>
    %dma_start3A_68 = arith.constant 3584 : i32
    %dma_start3A_69 = arith.constant 0 : i32
    %dma_start3A_70 = tpu.memref_slice %arg0[%dma_start3A_68, %dma_start3A_69] : memref<65536x1000xf32, #tpu.memory_space<any>> -> memref<512x1000xf32, #tpu.memory_space<any>>
    tpu.enqueue_dma source(%dma_start3A_70 : memref<512x1000xf32, #tpu.memory_space<any>>) target(%dma_start3A_67 : memref<512x1000xf32, #tpu.memory_space<vmem>>) target_semaphore(%dma_start3A_64 : memref<!tpu.dma_semaphore, #tpu.memory_space<semaphore_mem>>)
    %scan3A = arith.constant 0 : i32
    %scan3A_71 = arith.constant 128 : i32
    %scan3A_72 = arith.addi %scan3A, %scan3A_71 : i32
    %scan3A_73 = arith.constant 1 : i32
    scf.for %scan3A_75 = %scan3A to %scan3A_72 step %scan3A_73  : i32 {
      %mul3A = arith.constant 512 : i32
      %mul3A_76 = arith.muli %scan3A_75, %mul3A : i32
      %jit3A = arith.constant 8 : i32
      %eq3A = arith.constant 0 : i32
      %eq3A_77 = arith.cmpi eq, %jit3A, %eq3A : i32
      %jit3A_78 = arith.constant 1 : i32
      %select_n3A = arith.select %eq3A_77, %jit3A_78, %jit3A : i32
      %rem3A = arith.remsi %scan3A_75, %select_n3A : i32
      %ne3A = arith.constant 0 : i32
      %ne3A_79 = arith.cmpi ne, %rem3A, %ne3A : i32
      %lt3A = arith.constant 0 : i32
      %lt3A_80 = arith.cmpi slt, %rem3A, %lt3A : i32
      %lt3A_81 = arith.constant 0 : i32
      %lt3A_82 = arith.cmpi slt, %select_n3A, %lt3A_81 : i32
      %ne3A_83 = arith.xori %lt3A_80, %lt3A_82 : i1
      %and3A = arith.andi %ne3A_83, %ne3A_79 : i1
      %add3A = arith.addi %rem3A, %select_n3A : i32
      %select_n3A_84 = arith.select %and3A, %add3A, %rem3A : i32
      %mul3A_85 = arith.constant 512 : i32
      %mul3A_86 = arith.muli %select_n3A_84, %mul3A_85 : i32
      %jit3A_87 = arith.constant 8 : i32
      %eq3A_88 = arith.constant 0 : i32
      %eq3A_89 = arith.cmpi eq, %jit3A_87, %eq3A_88 : i32
      %jit3A_90 = arith.constant 1 : i32
      %select_n3A_91 = arith.select %eq3A_89, %jit3A_90, %jit3A_87 : i32
      %rem3A_92 = arith.remsi %scan3A_75, %select_n3A_91 : i32
      %ne3A_93 = arith.constant 0 : i32
      %ne3A_94 = arith.cmpi ne, %rem3A_92, %ne3A_93 : i32
      %lt3A_95 = arith.constant 0 : i32
      %lt3A_96 = arith.cmpi slt, %rem3A_92, %lt3A_95 : i32
      %lt3A_97 = arith.constant 0 : i32
      %lt3A_98 = arith.cmpi slt, %select_n3A_91, %lt3A_97 : i32
      %ne3A_99 = arith.xori %lt3A_96, %lt3A_98 : i1
      %and3A_100 = arith.andi %ne3A_99, %ne3A_94 : i1
      %add3A_101 = arith.addi %rem3A_92, %select_n3A_91 : i32
      %select_n3A_102 = arith.select %and3A_100, %add3A_101, %rem3A_92 : i32
      %dma_wait3A = tpu.memref_slice %arg4[%select_n3A_102] : memref<8x!tpu.dma_semaphore, #tpu.memory_space<semaphore_mem>> -> memref<1x!tpu.dma_semaphore, #tpu.memory_space<semaphore_mem>>
      %dma_wait3A_103 = tpu.memref_squeeze %dma_wait3A : memref<1x!tpu.dma_semaphore, #tpu.memory_space<semaphore_mem>> -> memref<!tpu.dma_semaphore, #tpu.memory_space<semaphore_mem>>
      %dma_wait3A_104 = arith.constant 0 : i32
      %dma_wait3A_105 = tpu.memref_slice %arg3[%mul3A_86, %dma_wait3A_104] : memref<4096x1000xf32, #tpu.memory_space<vmem>> -> memref<512x1000xf32, #tpu.memory_space<vmem>>
      %dma_wait3A_106 = arith.constant 0 : i32
      %dma_wait3A_107 = tpu.memref_slice %arg0[%mul3A_76, %dma_wait3A_106] : memref<65536x1000xf32, #tpu.memory_space<any>> -> memref<512x1000xf32, #tpu.memory_space<any>>
      tpu.wait_dma2 semaphore(%dma_wait3A_103 : memref<!tpu.dma_semaphore, #tpu.memory_space<semaphore_mem>>) src(%dma_wait3A_107 : memref<512x1000xf32, #tpu.memory_space<any>>) dst(%dma_wait3A_105 : memref<512x1000xf32, #tpu.memory_space<vmem>>)
      %jit3A_108 = arith.constant 8 : i32
      %eq3A_109 = arith.constant 0 : i32
      %eq3A_110 = arith.cmpi eq, %jit3A_108, %eq3A_109 : i32
      %jit3A_111 = arith.constant 1 : i32
      %select_n3A_112 = arith.select %eq3A_110, %jit3A_111, %jit3A_108 : i32
      %rem3A_113 = arith.remsi %scan3A_75, %select_n3A_112 : i32
      %ne3A_114 = arith.constant 0 : i32
      %ne3A_115 = arith.cmpi ne, %rem3A_113, %ne3A_114 : i32
      %lt3A_116 = arith.constant 0 : i32
      %lt3A_117 = arith.cmpi slt, %rem3A_113, %lt3A_116 : i32
      %lt3A_118 = arith.constant 0 : i32
      %lt3A_119 = arith.cmpi slt, %select_n3A_112, %lt3A_118 : i32
      %ne3A_120 = arith.xori %lt3A_117, %lt3A_119 : i1
      %and3A_121 = arith.andi %ne3A_120, %ne3A_115 : i1
      %add3A_122 = arith.addi %rem3A_113, %select_n3A_112 : i32
      %select_n3A_123 = arith.select %and3A_121, %add3A_122, %rem3A_113 : i32
      %mul3A_124 = arith.constant 512 : i32
      %mul3A_125 = arith.muli %select_n3A_123, %mul3A_124 : i32
      %get3A = arith.index_cast %mul3A_125 : i32 to index
      %get3A_126 = arith.constant 0 : index
      %get3A_127 = vector.load %arg3[%get3A, %get3A_126] : memref<4096x1000xf32, #tpu.memory_space<vmem>>, vector<512x1000xf32>
      %reduce_max3A = arith.constant dense<0xFF800000> : vector<512xf32>
      %reduce_max3A_128 = vector.multi_reduction <maximumf>, %get3A_127, %reduce_max3A [1] : vector<512x1000xf32> to vector<512xf32>
      %broadcast_in_dim3A = vector.shape_cast %reduce_max3A_128 : vector<512xf32> to vector<512x1xf32>
      %reduce_sum3A = arith.constant dense<0.000000e+00> : vector<512xf32>
      %reduce_sum3A_129 = vector.multi_reduction <add>, %get3A_127, %reduce_sum3A [1] : vector<512x1000xf32> to vector<512xf32>
      %broadcast_in_dim3A_130 = vector.shape_cast %reduce_sum3A_129 : vector<512xf32> to vector<512x1xf32>
      %reshape3A = vector.shape_cast %broadcast_in_dim3A : vector<512x1xf32> to vector<4x128xf32>
      %mul3A_131 = arith.constant 4 : i32
      %mul3A_132 = arith.muli %scan3A_75, %mul3A_131 : i32
      %swap3A = arith.index_cast %mul3A_132 : i32 to index
      %swap3A_133 = arith.constant 0 : index
      %swap3A_134 = vector.load %arg1[%swap3A, %swap3A_133] : memref<512x128xf32, #tpu.memory_space<vmem>>, vector<4x128xf32>
      tpu.vector_store %arg1[%swap3A, %swap3A_133], %reshape3A {strides = array<i32>} : memref<512x128xf32, #tpu.memory_space<vmem>>, vector<4x128xf32>,
      %exp3A = math.exp %broadcast_in_dim3A : vector<512x1xf32>
      %div3A = arith.divf %exp3A, %broadcast_in_dim3A_130 : vector<512x1xf32>
      %reshape3A_135 = vector.shape_cast %div3A : vector<512x1xf32> to vector<4x128xf32>
      %mul3A_136 = arith.constant 4 : i32
      %mul3A_137 = arith.muli %scan3A_75, %mul3A_136 : i32
      %swap3A_138 = arith.index_cast %mul3A_137 : i32 to index
      %swap3A_139 = arith.constant 0 : index
      %swap3A_140 = vector.load %arg2[%swap3A_138, %swap3A_139] : memref<512x128xf32, #tpu.memory_space<vmem>>, vector<4x128xf32>
      tpu.vector_store %arg2[%swap3A_138, %swap3A_139], %reshape3A_135 {strides = array<i32>} : memref<512x128xf32, #tpu.memory_space<vmem>>, vector<4x128xf32>,
      %add3A_141 = arith.constant 8 : i32
      %add3A_142 = arith.addi %scan3A_75, %add3A_141 : i32
      %lt3A_143 = arith.constant 128 : i32
      %lt3A_144 = arith.cmpi slt, %add3A_142, %lt3A_143 : i32
      %convert_element_type3A = arith.extui %lt3A_144 : i1 to i32
      %cond3A = arith.constant 0 : i32
      %cond3A_145 = arith.cmpi ne, %convert_element_type3A, %cond3A : i32
      scf.if %cond3A_145 {
        %add3A_146 = arith.constant 8 : i32
        %add3A_147 = arith.addi %scan3A_75, %add3A_146 : i32
        %mul3A_148 = arith.constant 512 : i32
        %mul3A_149 = arith.muli %add3A_147, %mul3A_148 : i32
        %jit3A_150 = arith.constant 8 : i32
        %eq3A_151 = arith.constant 0 : i32
        %eq3A_152 = arith.cmpi eq, %jit3A_150, %eq3A_151 : i32
        %jit3A_153 = arith.constant 1 : i32
        %select_n3A_154 = arith.select %eq3A_152, %jit3A_153, %jit3A_150 : i32
        %rem3A_155 = arith.remsi %add3A_147, %select_n3A_154 : i32
        %ne3A_156 = arith.constant 0 : i32
        %ne3A_157 = arith.cmpi ne, %rem3A_155, %ne3A_156 : i32
        %lt3A_158 = arith.constant 0 : i32
        %lt3A_159 = arith.cmpi slt, %rem3A_155, %lt3A_158 : i32
        %lt3A_160 = arith.constant 0 : i32
        %lt3A_161 = arith.cmpi slt, %select_n3A_154, %lt3A_160 : i32
        %ne3A_162 = arith.xori %lt3A_159, %lt3A_161 : i1
        %and3A_163 = arith.andi %ne3A_162, %ne3A_157 : i1
        %add3A_164 = arith.addi %rem3A_155, %select_n3A_154 : i32
        %select_n3A_165 = arith.select %and3A_163, %add3A_164, %rem3A_155 : i32
        %mul3A_166 = arith.constant 512 : i32
        %mul3A_167 = arith.muli %select_n3A_165, %mul3A_166 : i32
        %jit3A_168 = arith.constant 8 : i32
        %eq3A_169 = arith.constant 0 : i32
        %eq3A_170 = arith.cmpi eq, %jit3A_168, %eq3A_169 : i32
        %jit3A_171 = arith.constant 1 : i32
        %select_n3A_172 = arith.select %eq3A_170, %jit3A_171, %jit3A_168 : i32
        %rem3A_173 = arith.remsi %add3A_147, %select_n3A_172 : i32
        %ne3A_174 = arith.constant 0 : i32
        %ne3A_175 = arith.cmpi ne, %rem3A_173, %ne3A_174 : i32
        %lt3A_176 = arith.constant 0 : i32
        %lt3A_177 = arith.cmpi slt, %rem3A_173, %lt3A_176 : i32
        %lt3A_178 = arith.constant 0 : i32
        %lt3A_179 = arith.cmpi slt, %select_n3A_172, %lt3A_178 : i32
        %ne3A_180 = arith.xori %lt3A_177, %lt3A_179 : i1
        %and3A_181 = arith.andi %ne3A_180, %ne3A_175 : i1
        %add3A_182 = arith.addi %rem3A_173, %select_n3A_172 : i32
        %select_n3A_183 = arith.select %and3A_181, %add3A_182, %rem3A_173 : i32
        %dma_start3A_184 = tpu.memref_slice %arg4[%select_n3A_183] : memref<8x!tpu.dma_semaphore, #tpu.memory_space<semaphore_mem>> -> memref<1x!tpu.dma_semaphore, #tpu.memory_space<semaphore_mem>>
        %dma_start3A_185 = tpu.memref_squeeze %dma_start3A_184 : memref<1x!tpu.dma_semaphore, #tpu.memory_space<semaphore_mem>> -> memref<!tpu.dma_semaphore, #tpu.memory_space<semaphore_mem>>
        %dma_start3A_186 = arith.constant 0 : i32
        %dma_start3A_187 = tpu.memref_slice %arg3[%mul3A_167, %dma_start3A_186] : memref<4096x1000xf32, #tpu.memory_space<vmem>> -> memref<512x1000xf32, #tpu.memory_space<vmem>>
        %dma_start3A_188 = arith.constant 0 : i32
        %dma_start3A_189 = tpu.memref_slice %arg0[%mul3A_149, %dma_start3A_188] : memref<65536x1000xf32, #tpu.memory_space<any>> -> memref<512x1000xf32, #tpu.memory_space<any>>
        tpu.enqueue_dma source(%dma_start3A_189 : memref<512x1000xf32, #tpu.memory_space<any>>) target(%dma_start3A_187 : memref<512x1000xf32, #tpu.memory_space<vmem>>) target_semaphore(%dma_start3A_185 : memref<!tpu.dma_semaphore, #tpu.memory_space<semaphore_mem>>)
      } else {
      }
    }
    %scan3A_74 = arith.constant 128 : i32
    return
  }
}

</mosaic_0001>

<sc_bundles>
// kernel: kernel.4.cloned.1.call-start
scs
__scs_entry_jumppad:
0x0: {  	(pc) =	sbr.rel $0x88, $3  }
0x1: {  	(tag) =	ssettag $0x0;
	lr =	simm.s32 $0x1  }
0x2: {  	[smem:$0x3F9F] =	sst lr;
	_ =	strace $0xD0000000  }
0x3: {  	_ = 	snop  }
0x4: {  	_ = 	snop  }
0x5: {  	_ = 	snop  }
0x6: {  	_ = 	snop  }
0x7: {  	_ = 	snop  }
__scs_overlays_trampoline_lowered:
0x8: {  	[smem:$0x3FAE] =	sst s0  }
0x9: {  	[smem:$0x3FAF] =	sst s1  }
0xa: {  	[smem:$0x3FB0] =	sst s2  }
0xb: {  	[smem:$0x3FB1] =	sst s3  }
0xc: {  	[smem:$0x3FB2] =	sst s4  }
0xd: {  	[smem:$0x3FB3] =	sst s5  }
0xe: {  	[smem:$0x3FB4] =	sst s6  }
0xf: {  	[smem:$0x3FB5] =	sst s7  }
0x10: {  	[smem:$0x3FB6] =	sst s8  }
0x11: {  	[smem:$0x3FB7] =	sst s9;
	s0 =	simm.s32 @!p0 $0x0  }
0x12: {  	s1 =	sld [smem:$0x3F9D];
	s0 =	simm.s32 @p0 $0x1  }
0x13: {  	[smem:$0x3FB8] =	sst s0;
	s0 =	simm.s32 @!p1 $0x0  }
0x14: {  	s2 =	sld [smem:$0x3F9C];
	s0 =	simm.s32 @p1 $0x1  }
0x15: {  	[smem:$0x3FB9] =	sst s0;
	s0 =	simm.s32 @!p2 $0x0  }
0x16: {  	s3 =	sld [smem:$0x3FDB];
	s0 =	simm.s32 @p2 $0x1  }
0x17: {  	s4 =	simm.s32 $0x1BF5;
	[smem:$0x3FBB] =	sst s0  }
0x18: {  	s0 =	sld [smem:$0x3F9E];
	_ =	swait.ge [sflag:s4], $0x0  }
0x19: {  	s7 =	sld [smem:$0x3F9F]  }
0x1a: {  	s8 =	sadd.s32 $0xFFFFE003, lr  }
0x1b: {  	s9 =	sadd.s32 $0xFFFFFEF7, lr;
	s5 =	simm.s32 $0xFFFFFFFF;
	p2 =	slt.u32 s8, $0xFFFFF086  }
0x1c: {  	p1 =	slt.u32 s9, $0xF7A;
	s5 =	simm.s32 @!p2 $0x0  }
0x1d: {  	s5 =	simm.s32 @p1 $0x1;
	p0 =	seq.s32 s7, s2  }
0x1e: {  	s7 =	smul.u32 @!p0 $0xF7A, s2;
	p2 =	seq.s32 @!p0 s5, $0x0  }
0x1f: {  	s9 =	smul.u32 $0xF7A, s1;
	s8 =	simm.s32 @!p0 $0x1BF5;
	p2 =	por !p2, p0  }
0x20: {  	[sflag:s8] =	ssyncset.s32 @!p0 $0xFFFFF086;
	s6 =	sadd.s32 @!p0 s3, s7;
	s7 =	simm.s32 @!p0 $0x108  }
0x21: {  	s3 =	sadd.s32 s3, s9;
	s6 =	sadd.s32 @!p0 $0x88, s6;
	s7 =	simm.s32 @p2 $0x1082  }
0x22: {  	[simem:s7], [sflag:s8] =	dma.local @!p0 [hbm:s6], $0xF7A  }
0x23: {  	s9 =	sor.u32 $0xD0000000, s2;
	s6 =	simm.s32 $0x108;
	_ =	swait.ge @!p0 [sflag:s8], $0x0  }
0x24: {  	s3 =	sadd.s32 $0x88, s3;
	s6 =	simm.s32 @!p1 $0x1082;
	[sflag:s4] =	ssyncset.s32 $0xFFFFF086  }
0x25: {  	[simem:s6], [sflag:s4] =	dma.local [hbm:s3], $0xF7A  }
0x26: {  	[smem:$0x3F9F] =	sst s1;
	(tag) =	ssettag s2;
	_ =	strace s9  }
0x27: {  	s1 =	sld [smem:$0x3FAF]  }
0x28: {  	s2 =	sld [smem:$0x3FB0]  }
0x29: {  	s4 =	sld [smem:$0x3FB2]  }
0x2a: {  	p0 =	seq.s32 s5, $0x0;
	s5 =	sld [smem:$0x3FB3]  }
0x2b: {  	s6 =	sld [smem:$0x3FB4]  }
0x2c: {  	s7 =	sld [smem:$0x3FB5]  }
0x2d: {  	s3 =	simm.s32 $0x108;
	s8 =	sld [smem:$0x3FB6]  }
0x2e: {  	s3 =	simm.s32 @!p0 $0x1082;
	s9 =	sld [smem:$0x3FB7]  }
0x2f: {  	lr =	sadd.s32 s0, s3;
	s0 =	sld [smem:$0x3FAE]  }
0x30: {  	s3 =	sld [smem:$0x3FB1]  }
0x31: {  	[smem:$0x3FBA] =	sst s10  }
0x32: {  	s10 =	sld [smem:$0x3FB8];
	_ =	sdelay $0x3  }
0x33: {  	p0 =	seq.s32 s10, $0x1;
	s10 =	sld [smem:$0x3FBA];
	_ =	sdelay $0x3  }
0x34: {  	[smem:$0x3FBA] =	sst s10  }
0x35: {  	s10 =	sld [smem:$0x3FB9];
	_ =	sdelay $0x3  }
0x36: {  	p1 =	seq.s32 s10, $0x1;
	s10 =	sld [smem:$0x3FBA];
	_ =	sdelay $0x3  }
0x37: {  	[smem:$0x3FBA] =	sst s10  }
0x38: {  	s10 =	sld [smem:$0x3FBB]  }
0x39: {  	_ = 	snop;
	(pc) =	sbr.ind lr, $3  }
0x3a: {  	_ = 	snop  }
0x3b: {  	_ = 	snop  }
0x3c: {  	p2 =	seq.s32 s10, $0x1;
	s10 =	sld [smem:$0x3FBA]  }
0x3d: {  	_ =	shalt  }
0x3e: {  	_ =	shalt  }
0x3f: {  	_ =	shalt  }
0x40: {  	_ =	shalt  }
0x41: {  	_ =	shalt  }
0x42: {  	_ =	shalt  }
0x43: {  	_ =	shalt  }
0x44: {  	_ =	shalt  }
0x45: {  	_ =	shalt  }
0x46: {  	_ =	shalt  }
0x47: {  	_ =	shalt  }
0x48: {  	_ =	shalt  }
0x49: {  	_ =	shalt  }
0x4a: {  	_ =	shalt  }
0x4b: {  	_ =	shalt  }
0x4c: {  	_ =	shalt  }
0x4d: {  	_ =	shalt  }
0x4e: {  	_ =	shalt  }
0x4f: {  	_ =	shalt  }
0x50: {  	_ =	shalt  }
0x51: {  	_ =	shalt  }
0x52: {  	_ =	shalt  }
0x53: {  	_ =	shalt  }
0x54: {  	_ =	shalt  }
0x55: {  	_ =	shalt  }
0x56: {  	_ =	shalt  }
0x57: {  	_ =	shalt  }
0x58: {  	_ =	shalt  }
0x59: {  	_ =	shalt  }
0x5a: {  	_ =	shalt  }
0x5b: {  	_ =	shalt  }
0x5c: {  	_ =	shalt  }
0x5d: {  	_ =	shalt  }
0x5e: {  	_ =	shalt  }
0x5f: {  	_ =	shalt  }
0x60: {  	_ =	shalt  }
0x61: {  	_ =	shalt  }
0x62: {  	_ =	shalt  }
0x63: {  	_ =	shalt  }
0x64: {  	_ =	shalt  }
0x65: {  	_ =	shalt  }
0x66: {  	_ =	shalt  }
0x67: {  	_ =	shalt  }
0x68: {  	_ =	shalt  }
0x69: {  	_ =	shalt  }
0x6a: {  	_ =	shalt  }
0x6b: {  	_ =	shalt  }
0x6c: {  	_ =	shalt  }
0x6d: {  	_ =	shalt  }
0x6e: {  	_ =	shalt  }
0x6f: {  	_ =	shalt  }
0x70: {  	_ =	shalt  }
0x71: {  	_ =	shalt  }
0x72: {  	_ =	shalt  }
0x73: {  	_ =	shalt  }
0x74: {  	_ =	shalt  }
0x75: {  	_ =	shalt  }
0x76: {  	_ =	shalt  }
0x77: {  	_ =	shalt  }
0x78: {  	_ =	shalt  }
0x79: {  	_ =	shalt  }
0x7a: {  	_ =	shalt  }
0x7b: {  	_ =	shalt  }
0x7c: {  	_ =	shalt  }
0x7d: {  	_ =	shalt  }
0x7e: {  	_ =	shalt  }
0x7f: {  	_ =	shalt  }
0x80: {  	_ =	shalt  }
0x81: {  	_ =	shalt  }
0x82: {  	_ =	shalt  }
0x83: {  	_ =	shalt  }
0x84: {  	_ =	shalt  }
0x85: {  	_ =	shalt  }
0x86: {  	_ =	shalt  }
0x87: {  	_ =	shalt  }
.Lfunc_end0:
.L_simem_size_0:
called_computation_lowered:
.L_overlay_start_0:
0x88: {  	s2 =	sld [smem:$0x3FD9]  }
0x89: {  	s3 =	sld [smem:$0x3FFE];
	_ =	sdelay $0x1  }
0x8a: {  	s1 =	srdreg.scid  }
0x8b: {  	s0 =	sand.u32 $0x1, s1  }
0x8c: {  	s17 =	sshll.u32 s0, $0xA;
	s2 =	sadd.s32 s3, s2  }
0x8d: {  	s2 =	sadd.s32 s2, s17  }
0x8e: {  	[smem:$0x3FC6] =	sst s2  }
0x8f: {  	_ = 	snop  }
0x90: {  	s2 =	sld [smem:$0x3FC8];
	(tm) =	ssettm $0x1  }
0x91: {  	s18 =	sld [smem:$0x3FFB];
	_ =	sdelay $0x3  }
0x92: {  	_ =	strace s18  }
0x93: {  	s3 =	sld [smem:$0x3FFC];
	_ =	sdelay $0x3  }
0x94: {  	_ =	strace s3  }
0x95: {  	s3 =	sld [smem:$0x3FFD];
	_ =	sdelay $0x3  }
0x96: {  	_ =	strace s3  }
0x97: {  	_ =	strace $0x8FFFFFFF  }
0x98: {  	s19 =	sld [smem:$0x3FDB];
	_ =	sdelay $0x1  }
0x99: {  	s4 =	simm.s32 $_scs_section_size  }
0x9a: {  	s5 =	simm.s32 $_size__tile_overlayer_lowered;
	s6 =	simm.s32 $_tile_overlayer_lowered  }
0x9b: {  	s22 =	simm.s32 $0x1BFF;
	s21 =	sshll.u32 s6, $0x1;
	s3 =	sadd.s32 s4, s19  }
0x9c: {  	s7 =	simm.s32 $0x0;
	s20 =	sshll.u32 s5, $0x1;
	s5 =	sadd.s32 s21, s3  }
0x9d: {  	[timem:s7], [sflag:s22] =	dma.local [hbm:s5], s20  }
0x9e: {  	_ =	swait.ge [sflag:s22], s20  }
0x9f: {  	s4 =	ssub.s32 $0x0, s20;
	[sflag:s22] =	ssyncset.done $0x0  }
0xa0: {  	[sflag:s22] =	ssyncadd.s32 s4;
	_ =	sdelay $0x1  }
0xa1: {  	s23 =	simm.s32 $0x1B8B  }
0xa2: {  	_ =	swait.ge [sflag:s23], $0x1  }
0xa3: {  	[sflag:s23] =	ssyncset.done $0x0  }
0xa4: {  	s25 =	simm.s32 $0x1B8E;
	s24 =	sld [smem:$0x3FFE];
	[sflag:s23] =	ssyncadd.s32 $0xFFFFFFFF  }
0xa5: {  	s26 =	simm.s32 $execute0_lowered;
	[smem:$0x3FD2] =	sst s25  }
0xa6: {  	s5 =	sshll.u32 s26, $0x1;
	_ =	strace $0x80000046;
	[dreg:$0x1] =	wrdreg $0xFFFFFFFF  }
0xa7: {  	s28 =	simm.s32 $_size_execute0_lowered;
	s3 =	sadd.s32 s3, s5;
	[dreg:$0x0] =	wrdreg $0x0  }
0xa8: {  	s5 =	sshll.u32 s28, $0x1;
	[dreg:$0x2] =	wrdreg s3  }
0xa9: {  	[dreg:$0x3] =	wrdreg s5  }
0xaa: {  	[dreg:$0x4] =	wrdreg $0xC0  }
0xab: {  	_ =	task [dreg:s7], $0x5FFFF  }
0xac: {  	[dreg:$0x1] =	wrdreg $0xFFFFFFFF  }
0xad: {  	[dreg:$0x0] =	wrdreg $0x60  }
0xae: {  	[dreg:$0x2] =	wrdreg s24  }
0xaf: {  	[dreg:$0x3] =	wrdreg s2  }
0xb0: {  	[dreg:$0x4] =	wrdreg $0x9  }
0xb1: {  	_ =	task.clear_ibuf [dreg:s7], $0x5FFFF;
	_ =	strace $0x90000046  }
0xb2: {  	s29 =	simm.s32 $0x9;
	_ =	strace $0x80000048  }
0xb3: {  	_ =	swait.ge [sflag:s29], $0x1  }
0xb4: {  	[sflag:s29] =	ssyncadd.s32 $0xFFFFFFFF  }
0xb5: {  	_ =	strace $0x90000048  }
0xb6: {  	_ =	sfence  }
0xb7: {  	s30 =	sld [smem:$0x0];
	_ =	sdelay $0x2  }
0xb8: {  	s31 =	sshll.u32 s1, $0xD;
	s1 =	sshrl.u32 s1, $0x2  }
0xb9: {  	s3 =	sand.u32 $0x4000, s31;
	s1 =	sadd.s32 s1, s30  }
0xba: {  	s0 =	sor.u32 s3, s0;
	s1 =	sshll.u32 s1, $0x11  }
0xbb: {  	s0 =	sor.u32 s1, s0  }
0xbc: {  	s0 =	sadd.s32 $0x8F2B, s0  }
0xbd: {  	[sflag:s0] =	ssyncadd.remote.s32 $0x1  }
0xbe: {  	_ =	sfence.sel $0xFFFF  }
0xbf: {  	[dreg:$0x0] =	wrdreg $0xFFFFFFFF;
	(pc) =	sbr.abs _section_cstart, $3  }
0xc0: {  	[dreg:$0x1] =	wrdreg $0xFFFFFFFF  }
0xc1: {  	_ =	task.clear_ibuf [dreg:s7], $0x2FFFF;
	_ =	strace $0x9FFFFFFF  }
0xc2: {  	(tm) =	ssettm $0x7FFFFFFF  }
0xc3: {  	_ =	shalt  }
tec
execute0_lowered:
.L_overlay_start_1:
0x0: {  	(tag) =	ssettag $0x1  }
0x1: {  	s0 =	rddreg [dreg:$0x0]  }
0x2: {  	s1 =	rddreg [dreg:$0x1];
	s2 =	simm.s32 $0x0  }
0x3: {  	s3 =	srdreg.scid;
	s10 =	stileid.u32;
	s12 =	simm.s32 $0x80  }
0x4: {  	s11 =	simm.s32 $0x1500;
	s13 =	simm.s32 $0xD80;
	s14 =	simm.s32 $0x1580  }
0x5: {  	s15 =	simm.s32 $0xE00;
	s16 =	simm.s32 $0x1600;
	s17 =	simm.s32 $0xE80  }
0x6: {  	s18 =	simm.s32 $0x1680;
	s19 =	simm.s32 $0xF00;
	s20 =	simm.s32 $0x1700  }
0x7: {  	s21 =	simm.s32 $0xF80;
	s22 =	simm.s32 $0x1780;
	s23 =	simm.s32 $0x1  }
0x8: {  	s24 =	simm.s32 $0x2800;
	s25 =	simm.s32 $0x0;
	[smem:$0x7FF] =	sst s2  }
0x9: {  	s6 =	sand.u32 $0x1, s3;
	s29 =	sshll.u32 s10, $0x1;
	s3 =	sadd.s32 $0x800000, s0  }
0xa: {  	s30 =	sshll.u32 s10, $0xC;
	s10 =	simm.s32 $0xD00;
	_ =	strace $0x80000047  }
0xb: {  	s4 =	sor.u32 s6, s29;
	s7 =	ssub.s32 $0x2, s6;
	s31 =	sshll.u32 s6, $0xB  }
0xc: {  	s5 =	sshll.u32 s4, $0x8;
	s4 =	sshll.u32 s4, $0x4;
	s9 =	sshrl.u32 s7, $0x1  }
0xd: {  	s8 =	sadd.s32 s5, s0;
	s0 =	sadd.s32 s4, s0;
	s7 =	ssub.s32 s7, s9  }
0xe: {  	v0 =	vlaneseq.u32;
	v1 =	vimm.f32 $0.0e+00;
	s4 =	sadd.s32 s1, s5;
	s9 =	simm.s32 $0x2;
	s5 =	sadd.s32 $0xFD0000, s8  }
0xf: {  	v2 =	vimm.f32 $1.000000000e+00;
	v3 =	vimm.s32 $0x0;
	v0 =	vmul.u32 $0x3E8, v0;
	s6 =	sadd.s32 $0xFD2000, s0;
	s7 =	smax.u32 s7, $0x1;
	s8 =	sor.u32 s31, s30  }
.LBB2_1:
0x10: {  	[tilespmem:s2], [sflag:$0x2] =	stream.linear.gather [hbm4b:s4+s2], $0x800, $0x38;
	[tilespmem:$0x2880] =	vst v63  }
0x11: {  	_ =	swait.ge [sflag:s9], $0x800  }
0x12: {  	[sflag:s9] =	ssyncset.done $0x0  }
0x13: {  	s0 =	simm.s32 $0x1800;
	[sflag:s9] =	ssyncadd.s32 $0xFFFFF800  }
0x14: {  	[tilespmem:s0], [sflag:$0x2] =	stream.linear.gather [hbm4b:s5+s2], $0x800, $0x38;
	[tilespmem:$0x2880] =	vst v63  }
0x15: {  	_ =	swait.ge [sflag:s9], $0x800  }
0x16: {  	[sflag:s9] =	ssyncset.done $0x0  }
0x17: {  	s26 =	simm.s32 $0x2000;
	[sflag:s9] =	ssyncadd.s32 $0xFFFFF800  }
0x18: {  	[tilespmem:s26], [sflag:$0x2] =	stream.linear.gather [hbm4b:s5+s2], $0x800, $0x38;
	[tilespmem:$0x2880] =	vst v63  }
0x19: {  	s30 =	sadd.s32 $0x0, s8;
	_ =	swait.ge [sflag:s9], $0x800  }
0x1a: {  	s31 =	simm.s32 $0x0;
	s29 =	simm.s32 $0x40;
	[sflag:s9] =	ssyncset.done $0x0  }
0x1b: {  	s28 =	simm.s32 $0x0;
	s26 =	simm.s32 $0x0;
	[sflag:s9] =	ssyncadd.s32 $0xFFFFF800  }
.LBB2_2:
0x1c: {  	p0 =	sne.s32 s29, $0x1FC0;
	v4 =	vld [tilespmem:s31+$0x0];
	v5 =	vmov s30  }
0x1d: {  	v5 =	vmul.u32 $0x3E8, v5;
	_ =	sdelay $0x1  }
.Ltmp0:
0x1e: {  	v5 =	vbroadcast v5, $0x0;
	(pc) =	sbr.rel @p0 .LBB2_2-.Ltmp0, $4  }
0x1f: {  	s30 =	sand.u32 $0x1E00, s28;
	s28 =	smov.u32 s29  }
0x20: {  	s31 =	sand.u32 $0x70, s26;
	s30 =	sshrl.u32 s30, $0x2;
	v4 =	vadd.s32 v4, v5  }
0x21: {  	s26 =	sadd.s32 $0x10, s26;
	s0 =	sor.u32 s31, s30;
	v4 =	vadd.s32 v0, v4  }
0x22: {  	s29 =	sadd.s32 $0x40, s29;
	s30 =	sadd.s32 s26, s8;
	s31 =	sshra.s32 s28, $0x2;
	[tilespmem:s0+$0x800] =	vst v4  }
0x23: {  	v4 =	vld [tilespmem:s31+$0x0];
	v5 =	vmov s30  }
0x24: {  	v5 =	vmul.u32 $0x3E8, v5;
	_ =	sdelay $0x1  }
0x25: {  	v5 =	vbroadcast v5, $0x0  }
0x26: {  	s0 =	sand.u32 $0x1E00, s28  }
0x27: {  	s26 =	sand.u32 $0x70, s26;
	s0 =	sshrl.u32 s0, $0x2;
	v4 =	vadd.s32 v4, v5  }
0x28: {  	s0 =	sor.u32 s26, s0;
	v4 =	vadd.s32 v0, v4  }
0x29: {  	s31 =	simm.s32 $0x800;
	s1 =	simm.s32 $0x1000;
	[tilespmem:s0+$0x800] =	vst v4  }
0x2a: {  	[tilespmem:s1], [sflag:$0x1] =	stream.indirect.gather [hbm4b:s3+s12], $0x1, s31, s12, $0xb8;
	[tilespmem:$0x2880] =	vst v63  }
0x2b: {  	s26 =	simm.s32 $0x1080;
	s1 =	simm.s32 $0x880  }
0x2c: {  	[tilespmem:s26], [sflag:$0x1] =	stream.indirect.gather [hbm4b:s3+s12], $0x1, s1, s12, $0xb8;
	[tilespmem:$0x2880] =	vst v63  }
0x2d: {  	s30 =	simm.s32 $0x900;
	s31 =	simm.s32 $0x1100  }
0x2e: {  	[tilespmem:s31], [sflag:$0x1] =	stream.indirect.gather [hbm4b:s3+s12], $0x1, s30, s12, $0xb8;
	[tilespmem:$0x2880] =	vst v63  }
0x2f: {  	s1 =	simm.s32 $0x980;
	s26 =	simm.s32 $0x1180  }
0x30: {  	[tilespmem:s26], [sflag:$0x1] =	stream.indirect.gather [hbm4b:s3+s12], $0x1, s1, s12, $0xb8;
	[tilespmem:$0x2880] =	vst v63  }
0x31: {  	s30 =	simm.s32 $0xA00;
	s31 =	simm.s32 $0x1200  }
0x32: {  	[tilespmem:s31], [sflag:$0x1] =	stream.indirect.gather [hbm4b:s3+s12], $0x1, s30, s12, $0xb8;
	[tilespmem:$0x2880] =	vst v63  }
0x33: {  	s1 =	simm.s32 $0xA80;
	s26 =	simm.s32 $0x1280  }
0x34: {  	[tilespmem:s26], [sflag:$0x1] =	stream.indirect.gather [hbm4b:s3+s12], $0x1, s1, s12, $0xb8;
	[tilespmem:$0x2880] =	vst v63  }
0x35: {  	s30 =	simm.s32 $0xB00;
	s31 =	simm.s32 $0x1300  }
0x36: {  	[tilespmem:s31], [sflag:$0x1] =	stream.indirect.gather [hbm4b:s3+s12], $0x1, s30, s12, $0xb8;
	[tilespmem:$0x2880] =	vst v63  }
0x37: {  	s1 =	simm.s32 $0xB80;
	s26 =	simm.s32 $0x1380  }
0x38: {  	[tilespmem:s26], [sflag:$0x1] =	stream.indirect.gather [hbm4b:s3+s12], $0x1, s1, s12, $0xb8;
	[tilespmem:$0x2880] =	vst v63  }
0x39: {  	s30 =	simm.s32 $0xC00;
	s31 =	simm.s32 $0x1400  }
0x3a: {  	[tilespmem:s31], [sflag:$0x1] =	stream.indirect.gather [hbm4b:s3+s12], $0x1, s30, s12, $0xb8;
	[tilespmem:$0x2880] =	vst v63  }
0x3b: {  	s1 =	simm.s32 $0xC80;
	s26 =	simm.s32 $0x1480  }
0x3c: {  	[tilespmem:s26], [sflag:$0x1] =	stream.indirect.gather [hbm4b:s3+s12], $0x1, s1, s12, $0xb8;
	[tilespmem:$0x2880] =	vst v63  }
0x3d: {  	_ = 	snop  }
0x3e: {  	[tilespmem:s11], [sflag:$0x1] =	stream.indirect.gather [hbm4b:s3+s12], $0x1, s10, s12, $0xb8;
	[tilespmem:$0x2880] =	vst v63  }
0x3f: {  	_ = 	snop  }
0x40: {  	[tilespmem:s14], [sflag:$0x1] =	stream.indirect.gather [hbm4b:s3+s12], $0x1, s13, s12, $0xb8;
	[tilespmem:$0x2880] =	vst v63  }
0x41: {  	_ = 	snop  }
0x42: {  	[tilespmem:s16], [sflag:$0x1] =	stream.indirect.gather [hbm4b:s3+s12], $0x1, s15, s12, $0xb8;
	[tilespmem:$0x2880] =	vst v63  }
0x43: {  	_ = 	snop  }
0x44: {  	[tilespmem:s18], [sflag:$0x1] =	stream.indirect.gather [hbm4b:s3+s12], $0x1, s17, s12, $0xb8;
	[tilespmem:$0x2880] =	vst v63  }
0x45: {  	_ = 	snop  }
0x46: {  	[tilespmem:s20], [sflag:$0x1] =	stream.indirect.gather [hbm4b:s3+s12], $0x1, s19, s12, $0xb8;
	[tilespmem:$0x2880] =	vst v63  }
0x47: {  	_ = 	snop  }
0x48: {  	[tilespmem:s22], [sflag:$0x1] =	stream.indirect.gather [hbm4b:s3+s12], $0x1, s21, s12, $0xb8;
	[tilespmem:$0x2880] =	vst v63  }
0x49: {  	_ =	swait.ge [sflag:s23], $0x80  }
0x4a: {  	[sflag:s23] =	ssyncset.done $0x0  }
0x4b: {  	[sflag:s23] =	ssyncadd.s32 $0xFFFFFF80  }
0x4c: {  	_ =	swait.ge [sflag:s23], $0x80  }
0x4d: {  	[sflag:s23] =	ssyncset.done $0x0  }
0x4e: {  	[sflag:s23] =	ssyncadd.s32 $0xFFFFFF80  }
0x4f: {  	_ =	swait.ge [sflag:s23], $0x80  }
0x50: {  	[sflag:s23] =	ssyncset.done $0x0  }
0x51: {  	[sflag:s23] =	ssyncadd.s32 $0xFFFFFF80  }
0x52: {  	_ =	swait.ge [sflag:s23], $0x80  }
0x53: {  	[sflag:s23] =	ssyncset.done $0x0  }
0x54: {  	[sflag:s23] =	ssyncadd.s32 $0xFFFFFF80  }
0x55: {  	_ =	swait.ge [sflag:s23], $0x80  }
0x56: {  	[sflag:s23] =	ssyncset.done $0x0  }
0x57: {  	[sflag:s23] =	ssyncadd.s32 $0xFFFFFF80  }
0x58: {  	_ =	swait.ge [sflag:s23], $0x80  }
0x59: {  	[sflag:s23] =	ssyncset.done $0x0  }
0x5a: {  	[sflag:s23] =	ssyncadd.s32 $0xFFFFFF80  }
0x5b: {  	_ =	swait.ge [sflag:s23], $0x80  }
0x5c: {  	[sflag:s23] =	ssyncset.done $0x0  }
0x5d: {  	[sflag:s23] =	ssyncadd.s32 $0xFFFFFF80  }
0x5e: {  	_ =	swait.ge [sflag:s23], $0x80  }
0x5f: {  	[sflag:s23] =	ssyncset.done $0x0  }
0x60: {  	[sflag:s23] =	ssyncadd.s32 $0xFFFFFF80  }
0x61: {  	_ =	swait.ge [sflag:s23], $0x80  }
0x62: {  	[sflag:s23] =	ssyncset.done $0x0  }
0x63: {  	[sflag:s23] =	ssyncadd.s32 $0xFFFFFF80  }
0x64: {  	_ =	swait.ge [sflag:s23], $0x80  }
0x65: {  	[sflag:s23] =	ssyncset.done $0x0  }
0x66: {  	[sflag:s23] =	ssyncadd.s32 $0xFFFFFF80  }
0x67: {  	_ =	swait.ge [sflag:s23], $0x80  }
0x68: {  	[sflag:s23] =	ssyncset.done $0x0  }
0x69: {  	[sflag:s23] =	ssyncadd.s32 $0xFFFFFF80  }
0x6a: {  	_ =	swait.ge [sflag:s23], $0x80  }
0x6b: {  	[sflag:s23] =	ssyncset.done $0x0  }
0x6c: {  	[sflag:s23] =	ssyncadd.s32 $0xFFFFFF80  }
0x6d: {  	_ =	swait.ge [sflag:s23], $0x80  }
0x6e: {  	[sflag:s23] =	ssyncset.done $0x0  }
0x6f: {  	[sflag:s23] =	ssyncadd.s32 $0xFFFFFF80  }
0x70: {  	_ =	swait.ge [sflag:s23], $0x80  }
0x71: {  	[sflag:s23] =	ssyncset.done $0x0  }
0x72: {  	[sflag:s23] =	ssyncadd.s32 $0xFFFFFF80  }
0x73: {  	_ =	swait.ge [sflag:s23], $0x80  }
0x74: {  	[sflag:s23] =	ssyncset.done $0x0  }
0x75: {  	[sflag:s23] =	ssyncadd.s32 $0xFFFFFF80  }
0x76: {  	_ =	swait.ge [sflag:s23], $0x80  }
0x77: {  	[sflag:s23] =	ssyncset.done $0x0  }
0x78: {  	[sflag:s23] =	ssyncadd.s32 $0xFFFFFF80  }
0x79: {  	[tilespmem:$0x2800] =	vst v1  }
0x7a: {  	[tilespmem:$0x2810] =	vst v1  }
0x7b: {  	[tilespmem:$0x2820] =	vst v1  }
0x7c: {  	[tilespmem:$0x2830] =	vst v1  }
0x7d: {  	[tilespmem:$0x2840] =	vst v1  }
0x7e: {  	s30 =	simm.s32 $0x0;
	[tilespmem:$0x2850] =	vst v1  }
0x7f: {  	v6 =	vld [tilespmem:s30+$0x2000];
	_ =	sdelay $0x4  }
0x80: {  	v4 =	vmul.f32 $2.500000000e+01, v6;
	_ =	sdelay $0x1  }
0x81: {  	v5 =	vtrunc.f32 v4  }
0x82: {  	v7 =	vcvt.f32.s32 v5;
	vm0 =	veq.f32 v4, v5  }
0x83: {  	v4 =	vsel vm0, $0xFFFFFFFF, v3  }
0x84: {  	v4 =	vadd.s32 v7, v4  }
0x85: {  	s31 =	simm.s32 $0x0;
	vm14 =	vgt.s32 v4, $0x0  }
0x86: {  	s28 =	sand.u32 $0x1E00, s31;
	v4 =	vnsel vm14, $0x0, v4  }
0x87: {  	s26 =	sand.u32 $0x70, s31;
	s28 =	sshrl.u32 s28, $0x2;
	v4 =	vmin.u32 v4, $0x1F  }
0x88: {  	s26 =	sor.u32 s26, s28;
	v5 =	vld [tilespmem:s30+$0x1800]  }
0x89: {  	v7 =	vld [tilespmem:s26+$0x1000]  }
0x8a: {  	v8 =	vor.u32 $0x20, v4;
	_ =	sdelay $0x1  }
0x8b: {  	[tilespmem:v4+s24+$0x0] =	vst.idx.add.f32.msk $0xffff, v2;
	v4 =	vor.u32 $0x40, v4;
	_ =	sdelay $0x1  }
0x8c: {  	vm15 =	veq.f32 v7, v5  }
0x8d: {  	s29 =	simm.s32 $0x20;
	s28 =	simm.s32 $0x40;
	s26 =	simm.s32 $0x10;
	v5 =	vsel vm15, $0x3F800000, v1;
	[tilespmem:v8+s24+$0x0] =	vst.idx.add.f32.msk $0xffff, v6  }
.LBB2_4:
0x8e: {  	p0 =	sne.s32 s29, $0x7F0  }
0x8f: {  	s0 =	sshra.s32 s28, $0x2;
	[tilespmem:v4+s24+$0x0] =	vst.idx.add.f32.msk $0xffff, v5;
	s30 =	smov.u32 s29;
	s29 =	sadd.s32 $0x10, s29  }
0x90: {  	v6 =	vld [tilespmem:s0+$0x2000];
	_ =	sdelay $0x4  }
0x91: {  	v4 =	vmul.f32 $2.500000000e+01, v6;
	_ =	sdelay $0x1  }
0x92: {  	v5 =	vtrunc.f32 v4  }
0x93: {  	v7 =	vcvt.f32.s32 v5;
	vm0 =	veq.f32 v4, v5  }
0x94: {  	v4 =	vsel vm0, $0xFFFFFFFF, v3  }
0x95: {  	s31 =	sand.u32 $0x1E00, s28;
	v4 =	vadd.s32 v7, v4  }
0x96: {  	s1 =	sand.u32 $0x70, s26;
	s31 =	sshrl.u32 s31, $0x2;
	s26 =	smov.u32 s30;
	vm0 =	vgt.s32 v4, $0x0  }
0x97: {  	s1 =	sor.u32 s1, s31;
	v5 =	vld [tilespmem:s0+$0x1800];
	v4 =	vnsel vm0, $0x0, v4  }
0x98: {  	v7 =	vld [tilespmem:s1+$0x1000];
	v8 =	vmin.u32 v4, $0x1F  }
0x99: {  	v9 =	vor.u32 $0x20, v8  }
.Ltmp1:
0x9a: {  	v4 =	vor.u32 $0x40, v8;
	(pc) =	sbr.rel @p0 .LBB2_4-.Ltmp1, $3  }
0x9b: {  	_ =	sdelay $0x1  }
0x9c: {  	vm0 =	veq.f32 v7, v5;
	[tilespmem:v8+s24+$0x0] =	vst.idx.add.f32.msk $0xffff, v2  }
0x9d: {  	s28 =	sadd.s32 $0x40, s28;
	v5 =	vsel vm0, $0x3F800000, v1;
	[tilespmem:v9+s24+$0x0] =	vst.idx.add.f32.msk $0xffff, v6  }
0x9e: {  	_ =	sdelay $0x3  }
0x9f: {  	s0 =	sshra.s32 s28, $0x2;
	[tilespmem:v4+s24+$0x0] =	vst.idx.add.f32.msk $0xffff, v5  }
0xa0: {  	v4 =	vld [tilespmem:s0+$0x2000];
	_ =	sdelay $0x4  }
0xa1: {  	v5 =	vmul.f32 $2.500000000e+01, v4;
	_ =	sdelay $0x1  }
0xa2: {  	v6 =	vtrunc.f32 v5  }
0xa3: {  	v7 =	vcvt.f32.s32 v6;
	vm0 =	veq.f32 v5, v6  }
0xa4: {  	v5 =	vsel vm0, $0xFFFFFFFF, v3  }
0xa5: {  	s1 =	sand.u32 $0x1E00, s28;
	v5 =	vadd.s32 v7, v5  }
0xa6: {  	s26 =	sand.u32 $0x70, s26;
	s1 =	sshrl.u32 s1, $0x2;
	vm14 =	vgt.s32 v5, $0x0  }
0xa7: {  	v62 =	vld [tilespmem:s0+$0x1800];
	s1 =	sor.u32 s26, s1;
	v5 =	vnsel vm14, $0x0, v5  }
0xa8: {  	v63 =	vld [tilespmem:s1+$0x1000];
	v5 =	vmin.u32 v5, $0x1F  }
0xa9: {  	v8 =	vor.u32 $0x20, v5  }
0xaa: {  	v9 =	vor.u32 $0x40, v5;
	_ =	sdelay $0x2  }
0xab: {  	s25 =	sadd.s32 $0x1, s25;
	vm15 =	veq.f32 v63, v62;
	[tilespmem:v5+s24+$0x0] =	vst.idx.add.f32.msk $0xffff, v2  }
0xac: {  	p0 =	sne.s32 s25, s7;
	v5 =	vsel vm15, $0x3F800000, v1;
	[tilespmem:v8+s24+$0x0] =	vst.idx.add.f32.msk $0xffff, v4  }
.Ltmp2:
0xad: {  	[tilespmem:v9+s24+$0x0] =	vst.idx.add.f32.msk $0xffff, v5;
	(pc) =	sbr.rel @p0 .LBB2_1-.Ltmp2, $4  }
0xae: {  	[hbm4b:s6+s2] =	stream.linear.scatter [tilespmem:s24], [sflag:$0x2], $0x80, $0x38;
	[tilespmem:$0x2880] =	vst v63  }
0xaf: {  	_ =	swait.ge [sflag:s9], $0x80  }
0xb0: {  	[sflag:s9] =	ssyncset.done $0x0  }
0xb1: {  	[sflag:s9] =	ssyncadd.s32 $0xFFFFFF80  }
0xb2: {  	_ =	sfence.sel $0x180000  }
0xb3: {  	[bflag:$0x0] =	sbarrier.arrive $0xFFFF  }
0xb4: {  	_ =	strace $0x90000047  }
0xb5: {  	s0 =	stileid.u32;
	[bflag:$0x2] =	sbarrier.arrive $0xFFFF  }
0xb6: {  	p0 =	sne.s32 s0, $0x0;
	s0 =	rddreg [dreg:$0x2]  }
0xb7: {  	s0 =	sadd.s32 @!p0 $0x100000, s0  }
0xb8: {  	[sflag:s0] =	ssyncadd.tile.s32 @!p0 $0x1;
	_ =	shalt  }
.Lfunc_end2:
_tile_overlayer_lowered:
.L_overlay_start_2:
0xb9: {  	(tag) =	ssettag $0x2  }
0xba: {  	s0 =	rddreg [dreg:$0x0];
	s2 =	stileid.u32  }
0xbb: {  	s1 =	rddreg [dreg:$0x1];
	p0 =	sne.s32 s2, $0x0  }
0xbc: {  	s3 =	rddreg [dreg:$0x2];
	[bflag:$0x3] =	sbarrier.arrive $0xFFFF;
	s2 =	simm.s32 @!p0 $0x1C02  }
0xbd: {  	[timem:s3], [sflag:s2] =	dma.local @!p0 [hbm:s0], s1  }
0xbe: {  	s0 =	simm.s32 @!p0 $0x2  }
0xbf: {  	_ =	swait.ge @!p0 [sflag:s0], s1  }
0xc0: {  	s1 =	ssub.s32 @!p0 $0x0, s1;
	[sflag:s0] =	ssyncset.done @!p0 $0x0  }
0xc1: {  	[sflag:s0] =	ssyncadd.s32 @!p0 s1  }
0xc2: {  	[bflag:$0x3] =	sbarrier.arrive $0xFFFF  }
0xc3: {  	_ =	shalt  }

</sc_bundles>
